<compile_context>
chip_gen: v7x
topology: tpu7x:2x2x1
jax: 0.10.2.dev20260603
libtpu: 0.0.44.dev20260713+nightly
codegen_flags: <defaults>
</compile_context>

<pallas_src>
import functools

import jax
import jax.numpy as jnp
from jax import lax
from jax.experimental import pallas as pl
from jax.experimental import layout as jex_layout
from jax.experimental.pallas import tpu as pltpu
from jax.experimental.pallas import tpu_sc as plsc

H = 64
D = 2 * H
B = 1024
L = 50
MAX_NORM = 1.5

N_WORKERS = 32
ROWS = B * L
B_PER_W = ROWS // N_WORKERS
GATHER_CHUNKS = [128] * 12 + [64]

BB = 64
R = BB * L


def _gather_rows(item_table, idx_flat):
    mesh = plsc.VectorSubcoreMesh(core_axis_name="c", subcore_axis_name="s")

    @functools.partial(
        pl.kernel,
        mesh=mesh,
        out_type=jax.ShapeDtypeStruct((ROWS, H), jnp.float32),
        scratch_types=[
            pltpu.VMEM((B_PER_W,), jnp.int32),
            pltpu.VMEM((B_PER_W, H), jnp.float32),
            pltpu.SemaphoreType.DMA,
        ],
        compiler_params=pltpu.CompilerParams(use_tc_tiling_on_sc=False),
    )
    def gather_kernel(table_hbm, idx_hbm, out_hbm, idx_v, rows_v, sem):
        wid = lax.axis_index("s") * 2 + lax.axis_index("c")
        base = wid * B_PER_W
        pltpu.sync_copy(idx_hbm.at[pl.ds(base, B_PER_W)], idx_v)
        copies = []
        off = 0
        for sz in GATHER_CHUNKS:
            copies.append(
                pltpu.async_copy(
                    table_hbm.at[idx_v.at[pl.ds(off, sz)]],
                    rows_v.at[pl.ds(off, sz)],
                    sem,
                )
            )
            off += sz
        for c in copies:
            c.wait()
        pltpu.sync_copy(rows_v, out_hbm.at[pl.ds(base, B_PER_W)])

    return gather_kernel(item_table, idx_flat)


def _renorm(e):
    n = jnp.sqrt(jnp.sum(e * e, axis=-1, keepdims=True))
    return e * jnp.minimum(1.0, MAX_NORM / jnp.maximum(n, 1e-7))


def _dense_body(rows_ref, pos_ref, a_in_ref, a_out_ref, lnw_ref, lnb_ref,
                win_ref, bin_ref, wout_ref, bout_ref, wih_ref, whh_ref,
                bih_ref, bhh_ref, biah_ref, boah_ref, out_ref):
    dot_t = lambda x, w: lax.dot_general(
        x, w, (((1,), (1,)), ((), ())), preferred_element_type=jnp.float32)

    e = _renorm(rows_ref[...])
    p = _renorm(pos_ref[...])
    p = jnp.concatenate([p] * BB, axis=0)
    seq = jnp.concatenate([e, p], axis=1)

    u = jnp.mean(seq, axis=1, keepdims=True)
    s = jnp.mean((seq - u) ** 2, axis=1, keepdims=True)
    hidden = lnw_ref[...] * ((seq - u) / jnp.sqrt(s + 1e-12)) + lnb_ref[...]

    ein = dot_t(hidden, win_ref[...]) + bin_ref[...]
    eout = dot_t(hidden, wout_ref[...]) + bout_ref[...]

    parts = []
    for b in range(BB):
        ii = lax.dot_general(a_in_ref[b], ein[b * L:(b + 1) * L, :],
                             (((1,), (0,)), ((), ())),
                             preferred_element_type=jnp.float32)
        io = lax.dot_general(a_out_ref[b], eout[b * L:(b + 1) * L, :],
                             (((1,), (0,)), ((), ())),
                             preferred_element_type=jnp.float32)
        parts.append(jnp.concatenate([ii, io], axis=1))
    gnn_in = jnp.concatenate(parts, axis=0)
    gnn_in = gnn_in + jnp.concatenate([biah_ref[...], boah_ref[...]], axis=1)

    gi = dot_t(gnn_in, wih_ref[...]) + bih_ref[...]
    gh = dot_t(hidden, whh_ref[...]) + bhh_ref[...]

    i_r, i_i, i_n = gi[:, :D], gi[:, D:2 * D], gi[:, 2 * D:]
    h_r, h_i, h_n = gh[:, :D], gh[:, D:2 * D], gh[:, 2 * D:]
    resetgate = jax.nn.sigmoid(i_r + h_r)
    inputgate = jax.nn.sigmoid(i_i + h_i)
    newgate = jnp.tanh(i_n + resetgate * h_n)
    out = newgate + inputgate * (hidden - newgate)
    out_ref[...] = out.reshape(BB, L, D)


def _dense(rows, pos, a_in, a_out, lnw, lnb, win, bin_, wout, bout,
           wih, whh, bih, bhh, biah, boah, *, interpret=False):
    grid = B // BB
    fixed = lambda *shape: pl.BlockSpec(shape, lambda i: (0,) * len(shape))
    return pl.pallas_call(
        _dense_body,
        grid=(grid,),
        in_specs=[
            pl.BlockSpec((R, H), lambda i: (i, 0)),
            fixed(L, H),
            pl.BlockSpec((BB, L, L), lambda i: (i, 0, 0)),
            pl.BlockSpec((BB, L, L), lambda i: (i, 0, 0)),
            fixed(1, D), fixed(1, D),
            fixed(D, D), fixed(1, D),
            fixed(D, D), fixed(1, D),
            fixed(3 * D, 2 * D), fixed(3 * D, D),
            fixed(1, 3 * D), fixed(1, 3 * D),
            fixed(1, D), fixed(1, D),
        ],
        out_specs=pl.BlockSpec((BB, L, D), lambda i: (i, 0, 0)),
        out_shape=jax.ShapeDtypeStruct((B, L, D), jnp.float32),
        interpret=interpret,
    )(rows, pos, a_in, a_out, lnw, lnb, win, bin_, wout, bout,
      wih, whh, bih, bhh, biah, boah)


def kernel(inputs, A, item_table, pos_table, ln_w, ln_b, W_in, b_in, W_out,
           b_out, w_ih, w_hh, b_ih, b_hh, b_iah, b_oah):
    idx_flat = inputs.reshape(ROWS).astype(jnp.int32)
    rows = _gather_rows(item_table, idx_flat)
    a_in, a_out = jnp.split(A, 2, axis=2)
    row2 = lambda v: v.reshape(1, -1)
    return _dense(rows, pos_table[:L], a_in, a_out,
                  row2(ln_w), row2(ln_b), W_in, row2(b_in), W_out,
                  row2(b_out), w_ih, w_hh, row2(b_ih), row2(b_hh),
                  row2(b_iah), row2(b_oah))

# --- scband reference (transcript-rebuilt; emitter-appended) ---
"""Pipeline reference for scband-session-graph-81441169867100 (READ-ONLY COPY).

The authoritative reference and input builder live on the scoring server;
editing this copy changes nothing except your own understanding.
"""

import jax, jax.numpy as jnp
import numpy as np

N_NODE = 1000000
H = 64          # opt.hiddenSize
D = 2 * H       # GNN hidden size (item emb || pos emb)
B = 1024
L = 50
STEP = 1
MAX_NORM = 1.5


def _renorm(e):
    # emulate nn.Embedding(max_norm=1.5): renormalize looked-up rows
    n = jnp.sqrt(jnp.sum(e * e, axis=-1, keepdims=True))
    return e * jnp.minimum(1.0, MAX_NORM / jnp.maximum(n, 1e-7))


def setup_inputs(seed: int = 0):
    key = jax.random.key(seed)
    ks = jax.random.split(key, 14)
    stdv = 1.0 / np.sqrt(H)
    u = lambda k, shp: jax.random.uniform(k, shp, jnp.float32, -stdv, stdv)
    return {
        "inputs": jax.random.randint(ks[0], (B, L), 0, N_NODE),
        "A": jax.random.uniform(ks[1], (B, L, 2 * L), jnp.float32),
        "item_table": u(ks[2], (N_NODE, H)),
        "pos_table": u(ks[3], (300, H)),
        "ln_w": jnp.ones((D,), jnp.float32),
        "ln_b": jnp.zeros((D,), jnp.float32),
        "W_in": u(ks[4], (D, D)),
        "b_in": u(ks[5], (D,)),
        "W_out": u(ks[6], (D, D)),
        "b_out": u(ks[7], (D,)),
        "w_ih": u(ks[8], (3 * D, 2 * D)),
        "w_hh": u(ks[9], (3 * D, D)),
        "b_ih": u(ks[10], (3 * D,)),
        "b_hh": u(ks[11], (3 * D,)),
        "b_iah": u(ks[12], (D,)),
        "b_oah": u(ks[13], (D,)),
    }


def reference(inputs, A, item_table, pos_table, ln_w, ln_b, W_in, b_in,
              W_out, b_out, w_ih, w_hh, b_ih, b_hh, b_iah, b_oah):
    # add_position_embedding
    item_emb = _renorm(jnp.take(item_table, inputs, axis=0))          # [B, L, H]
    pos_ids = jnp.arange(L, dtype=jnp.int32)
    pos_emb = _renorm(jnp.take(pos_table, pos_ids, axis=0))           # [L, H]
    pos_emb = jnp.broadcast_to(pos_emb[None, :, :], (B, L, H))
    seq = jnp.concatenate([item_emb, pos_emb], axis=-1)               # [B, L, D]
    # TF-style LayerNorm (eps inside sqrt)
    u_ = jnp.mean(seq, axis=-1, keepdims=True)
    s = jnp.mean((seq - u_) ** 2, axis=-1, keepdims=True)
    hidden = ln_w * ((seq - u_) / jnp.sqrt(s + 1e-12)) + ln_b
    # gated GNN propagation
    for _ in range(STEP):
        ein = hidden @ W_in.T + b_in
        eout = hidden @ W_out.T + b_out
        input_in = jnp.matmul(A[:, :, :L], ein) + b_iah
        input_out = jnp.matmul(A[:, :, L:2 * L], eout) + b_oah
        gnn_in = jnp.concatenate([input_in, input_out], axis=2)       # [B, L, 2D]
        gi = gnn_in @ w_ih.T + b_ih                                   # [B, L, 3D]
        gh = hidden @ w_hh.T + b_hh                                   # [B, L, 3D]
        i_r, i_i, i_n = jnp.split(gi, 3, axis=2)
        h_r, h_i, h_n = jnp.split(gh, 3, axis=2)
        resetgate = jax.nn.sigmoid(i_r + h_r)
        inputgate = jax.nn.sigmoid(i_i + h_i)
        newgate = jnp.tanh(i_n + resetgate * h_n)
        hidden = newgate + inputgate * (hidden - newgate)
    return hidden

if __name__ == "__main__":
    import jax
    _d = setup_inputs()
    print(jax.jit(kernel)(*tuple(_d.values())))

</pallas_src>

<mosaic_0001>
#map = affine_map<(d0, d1) -> (0, 0)>
#map1 = affine_map<(d0, d1) -> (0)>
module attributes {stable_mosaic.version = 14 : i64} {
  func.func @gather_kernel(%arg0: i32, %arg1: i32, %arg2: memref<1000000x64xf32, #tpu.memory_space<hbm>>, %arg3: memref<51200xi32, #tpu.memory_space<hbm>>, %arg4: memref<51200x64xf32, #tpu.memory_space<hbm>>, %arg5: memref<1600xi32, #tpu.memory_space<vmem>>, %arg6: memref<1600x64xf32, #tpu.memory_space<vmem>>, %arg7: memref<!tpu.dma_semaphore, #tpu.memory_space<semaphore_mem>>) attributes {dimension_semantics = [#tpu.dimension_semantics<core_parallel>, #tpu.dimension_semantics<subcore_parallel>], iteration_bounds = array<i64: 2, 16>, scalar_prefetch = 0 : i64, scratch_operands = 3 : i64, tpu.core_type = #tpu.core_type<sc_vector_subcore>, window_params = [{transform_indices = #map}, {transform_indices = #map1}, {transform_indices = #map}]} {
    %mul3A = arith.constant 2 : i32
    %mul3A_0 = arith.muli %arg1, %mul3A : i32
    %add3A = arith.addi %mul3A_0, %arg0 : i32
    %mul3A_1 = arith.constant 1600 : i32
    %mul3A_2 = arith.muli %add3A, %mul3A_1 : i32
    "tpu.region"() ({
      %run_scoped3A = tpu.sem_alloc : memref<!tpu.dma_semaphore, #tpu.memory_space<semaphore_mem>>
      %dma_start3A_209 = tpu.memref_slice %arg3[%mul3A_2] : memref<51200xi32, #tpu.memory_space<hbm>> -> memref<1600xi32, #tpu.memory_space<hbm>>
      %dma_start3A_210 = tpu.memref_slice %arg3[%mul3A_2] : memref<51200xi32, #tpu.memory_space<hbm>> -> memref<1600xi32, #tpu.memory_space<hbm>>
      tpu.enqueue_dma source(%dma_start3A_210 : memref<1600xi32, #tpu.memory_space<hbm>>) target(%arg5 : memref<1600xi32, #tpu.memory_space<vmem>>) target_semaphore(%run_scoped3A : memref<!tpu.dma_semaphore, #tpu.memory_space<semaphore_mem>>)
      %dma_wait3A_211 = tpu.memref_slice %arg3[%mul3A_2] : memref<51200xi32, #tpu.memory_space<hbm>> -> memref<1600xi32, #tpu.memory_space<hbm>>
      %dma_wait3A_212 = tpu.memref_slice %arg3[%mul3A_2] : memref<51200xi32, #tpu.memory_space<hbm>> -> memref<1600xi32, #tpu.memory_space<hbm>>
      tpu.wait_dma2 semaphore(%run_scoped3A : memref<!tpu.dma_semaphore, #tpu.memory_space<semaphore_mem>>) src(%dma_wait3A_212 : memref<1600xi32, #tpu.memory_space<hbm>>) dst(%arg5 : memref<1600xi32, #tpu.memory_space<vmem>>)
      tpu.yield
    }) : () -> ()
    %dma_start3A = arith.constant 0 : i32
    %dma_start3A_3 = arith.constant 0 : i32
    %dma_start3A_4 = tpu.memref_slice %arg6[%dma_start3A, %dma_start3A_3] : memref<1600x64xf32, #tpu.memory_space<vmem>> -> memref<128x64xf32, #tpu.memory_space<vmem>>
    %dma_start3A_5 = arith.constant 0 : i32
    %dma_start3A_6 = tpu.memref_slice %arg5[%dma_start3A_5] : memref<1600xi32, #tpu.memory_space<vmem>> -> memref<128xi32, #tpu.memory_space<vmem>>
    %dma_start3A_7 = arith.constant 0 : i32
    %dma_start3A_8 = arith.constant 0 : i32
    %dma_start3A_9 = tpu.memref_slice %arg2[%dma_start3A_7, %dma_start3A_8] : memref<1000000x64xf32, #tpu.memory_space<hbm>> -> memref<1000000x64xf32, #tpu.memory_space<hbm>>
    tpu.enqueue_indirect_dma source(%dma_start3A_9 : memref<1000000x64xf32, #tpu.memory_space<hbm>>) target(%dma_start3A_4 : memref<128x64xf32, #tpu.memory_space<vmem>>) offsets(%dma_start3A_6 : memref<128xi32, #tpu.memory_space<vmem>>) semaphore(%arg7 : memref<!tpu.dma_semaphore, #tpu.memory_space<semaphore_mem>>)
    %dma_start3A_10 = arith.constant 128 : i32
    %dma_start3A_11 = arith.constant 0 : i32
    %dma_start3A_12 = tpu.memref_slice %arg6[%dma_start3A_10, %dma_start3A_11] : memref<1600x64xf32, #tpu.memory_space<vmem>> -> memref<128x64xf32, #tpu.memory_space<vmem>>
    %dma_start3A_13 = arith.constant 128 : i32
    %dma_start3A_14 = tpu.memref_slice %arg5[%dma_start3A_13] : memref<1600xi32, #tpu.memory_space<vmem>> -> memref<128xi32, #tpu.memory_space<vmem>>
    %dma_start3A_15 = arith.constant 0 : i32
    %dma_start3A_16 = arith.constant 0 : i32
    %dma_start3A_17 = tpu.memref_slice %arg2[%dma_start3A_15, %dma_start3A_16] : memref<1000000x64xf32, #tpu.memory_space<hbm>> -> memref<1000000x64xf32, #tpu.memory_space<hbm>>
    tpu.enqueue_indirect_dma source(%dma_start3A_17 : memref<1000000x64xf32, #tpu.memory_space<hbm>>) target(%dma_start3A_12 : memref<128x64xf32, #tpu.memory_space<vmem>>) offsets(%dma_start3A_14 : memref<128xi32, #tpu.memory_space<vmem>>) semaphore(%arg7 : memref<!tpu.dma_semaphore, #tpu.memory_space<semaphore_mem>>)
    %dma_start3A_18 = arith.constant 256 : i32
    %dma_start3A_19 = arith.constant 0 : i32
    %dma_start3A_20 = tpu.memref_slice %arg6[%dma_start3A_18, %dma_start3A_19] : memref<1600x64xf32, #tpu.memory_space<vmem>> -> memref<128x64xf32, #tpu.memory_space<vmem>>
    %dma_start3A_21 = arith.constant 256 : i32
    %dma_start3A_22 = tpu.memref_slice %arg5[%dma_start3A_21] : memref<1600xi32, #tpu.memory_space<vmem>> -> memref<128xi32, #tpu.memory_space<vmem>>
    %dma_start3A_23 = arith.constant 0 : i32
    %dma_start3A_24 = arith.constant 0 : i32
    %dma_start3A_25 = tpu.memref_slice %arg2[%dma_start3A_23, %dma_start3A_24] : memref<1000000x64xf32, #tpu.memory_space<hbm>> -> memref<1000000x64xf32, #tpu.memory_space<hbm>>
    tpu.enqueue_indirect_dma source(%dma_start3A_25 : memref<1000000x64xf32, #tpu.memory_space<hbm>>) target(%dma_start3A_20 : memref<128x64xf32, #tpu.memory_space<vmem>>) offsets(%dma_start3A_22 : memref<128xi32, #tpu.memory_space<vmem>>) semaphore(%arg7 : memref<!tpu.dma_semaphore, #tpu.memory_space<semaphore_mem>>)
    %dma_start3A_26 = arith.constant 384 : i32
    %dma_start3A_27 = arith.constant 0 : i32
    %dma_start3A_28 = tpu.memref_slice %arg6[%dma_start3A_26, %dma_start3A_27] : memref<1600x64xf32, #tpu.memory_space<vmem>> -> memref<128x64xf32, #tpu.memory_space<vmem>>
    %dma_start3A_29 = arith.constant 384 : i32
    %dma_start3A_30 = tpu.memref_slice %arg5[%dma_start3A_29] : memref<1600xi32, #tpu.memory_space<vmem>> -> memref<128xi32, #tpu.memory_space<vmem>>
    %dma_start3A_31 = arith.constant 0 : i32
    %dma_start3A_32 = arith.constant 0 : i32
    %dma_start3A_33 = tpu.memref_slice %arg2[%dma_start3A_31, %dma_start3A_32] : memref<1000000x64xf32, #tpu.memory_space<hbm>> -> memref<1000000x64xf32, #tpu.memory_space<hbm>>
    tpu.enqueue_indirect_dma source(%dma_start3A_33 : memref<1000000x64xf32, #tpu.memory_space<hbm>>) target(%dma_start3A_28 : memref<128x64xf32, #tpu.memory_space<vmem>>) offsets(%dma_start3A_30 : memref<128xi32, #tpu.memory_space<vmem>>) semaphore(%arg7 : memref<!tpu.dma_semaphore, #tpu.memory_space<semaphore_mem>>)
    %dma_start3A_34 = arith.constant 512 : i32
    %dma_start3A_35 = arith.constant 0 : i32
    %dma_start3A_36 = tpu.memref_slice %arg6[%dma_start3A_34, %dma_start3A_35] : memref<1600x64xf32, #tpu.memory_space<vmem>> -> memref<128x64xf32, #tpu.memory_space<vmem>>
    %dma_start3A_37 = arith.constant 512 : i32
    %dma_start3A_38 = tpu.memref_slice %arg5[%dma_start3A_37] : memref<1600xi32, #tpu.memory_space<vmem>> -> memref<128xi32, #tpu.memory_space<vmem>>
    %dma_start3A_39 = arith.constant 0 : i32
    %dma_start3A_40 = arith.constant 0 : i32
    %dma_start3A_41 = tpu.memref_slice %arg2[%dma_start3A_39, %dma_start3A_40] : memref<1000000x64xf32, #tpu.memory_space<hbm>> -> memref<1000000x64xf32, #tpu.memory_space<hbm>>
    tpu.enqueue_indirect_dma source(%dma_start3A_41 : memref<1000000x64xf32, #tpu.memory_space<hbm>>) target(%dma_start3A_36 : memref<128x64xf32, #tpu.memory_space<vmem>>) offsets(%dma_start3A_38 : memref<128xi32, #tpu.memory_space<vmem>>) semaphore(%arg7 : memref<!tpu.dma_semaphore, #tpu.memory_space<semaphore_mem>>)
    %dma_start3A_42 = arith.constant 640 : i32
    %dma_start3A_43 = arith.constant 0 : i32
    %dma_start3A_44 = tpu.memref_slice %arg6[%dma_start3A_42, %dma_start3A_43] : memref<1600x64xf32, #tpu.memory_space<vmem>> -> memref<128x64xf32, #tpu.memory_space<vmem>>
    %dma_start3A_45 = arith.constant 640 : i32
    %dma_start3A_46 = tpu.memref_slice %arg5[%dma_start3A_45] : memref<1600xi32, #tpu.memory_space<vmem>> -> memref<128xi32, #tpu.memory_space<vmem>>
    %dma_start3A_47 = arith.constant 0 : i32
    %dma_start3A_48 = arith.constant 0 : i32
    %dma_start3A_49 = tpu.memref_slice %arg2[%dma_start3A_47, %dma_start3A_48] : memref<1000000x64xf32, #tpu.memory_space<hbm>> -> memref<1000000x64xf32, #tpu.memory_space<hbm>>
    tpu.enqueue_indirect_dma source(%dma_start3A_49 : memref<1000000x64xf32, #tpu.memory_space<hbm>>) target(%dma_start3A_44 : memref<128x64xf32, #tpu.memory_space<vmem>>) offsets(%dma_start3A_46 : memref<128xi32, #tpu.memory_space<vmem>>) semaphore(%arg7 : memref<!tpu.dma_semaphore, #tpu.memory_space<semaphore_mem>>)
    %dma_start3A_50 = arith.constant 768 : i32
    %dma_start3A_51 = arith.constant 0 : i32
    %dma_start3A_52 = tpu.memref_slice %arg6[%dma_start3A_50, %dma_start3A_51] : memref<1600x64xf32, #tpu.memory_space<vmem>> -> memref<128x64xf32, #tpu.memory_space<vmem>>
    %dma_start3A_53 = arith.constant 768 : i32
    %dma_start3A_54 = tpu.memref_slice %arg5[%dma_start3A_53] : memref<1600xi32, #tpu.memory_space<vmem>> -> memref<128xi32, #tpu.memory_space<vmem>>
    %dma_start3A_55 = arith.constant 0 : i32
    %dma_start3A_56 = arith.constant 0 : i32
    %dma_start3A_57 = tpu.memref_slice %arg2[%dma_start3A_55, %dma_start3A_56] : memref<1000000x64xf32, #tpu.memory_space<hbm>> -> memref<1000000x64xf32, #tpu.memory_space<hbm>>
    tpu.enqueue_indirect_dma source(%dma_start3A_57 : memref<1000000x64xf32, #tpu.memory_space<hbm>>) target(%dma_start3A_52 : memref<128x64xf32, #tpu.memory_space<vmem>>) offsets(%dma_start3A_54 : memref<128xi32, #tpu.memory_space<vmem>>) semaphore(%arg7 : memref<!tpu.dma_semaphore, #tpu.memory_space<semaphore_mem>>)
    %dma_start3A_58 = arith.constant 896 : i32
    %dma_start3A_59 = arith.constant 0 : i32
    %dma_start3A_60 = tpu.memref_slice %arg6[%dma_start3A_58, %dma_start3A_59] : memref<1600x64xf32, #tpu.memory_space<vmem>> -> memref<128x64xf32, #tpu.memory_space<vmem>>
    %dma_start3A_61 = arith.constant 896 : i32
    %dma_start3A_62 = tpu.memref_slice %arg5[%dma_start3A_61] : memref<1600xi32, #tpu.memory_space<vmem>> -> memref<128xi32, #tpu.memory_space<vmem>>
    %dma_start3A_63 = arith.constant 0 : i32
    %dma_start3A_64 = arith.constant 0 : i32
    %dma_start3A_65 = tpu.memref_slice %arg2[%dma_start3A_63, %dma_start3A_64] : memref<1000000x64xf32, #tpu.memory_space<hbm>> -> memref<1000000x64xf32, #tpu.memory_space<hbm>>
    tpu.enqueue_indirect_dma source(%dma_start3A_65 : memref<1000000x64xf32, #tpu.memory_space<hbm>>) target(%dma_start3A_60 : memref<128x64xf32, #tpu.memory_space<vmem>>) offsets(%dma_start3A_62 : memref<128xi32, #tpu.memory_space<vmem>>) semaphore(%arg7 : memref<!tpu.dma_semaphore, #tpu.memory_space<semaphore_mem>>)
    %dma_start3A_66 = arith.constant 1024 : i32
    %dma_start3A_67 = arith.constant 0 : i32
    %dma_start3A_68 = tpu.memref_slice %arg6[%dma_start3A_66, %dma_start3A_67] : memref<1600x64xf32, #tpu.memory_space<vmem>> -> memref<128x64xf32, #tpu.memory_space<vmem>>
    %dma_start3A_69 = arith.constant 1024 : i32
    %dma_start3A_70 = tpu.memref_slice %arg5[%dma_start3A_69] : memref<1600xi32, #tpu.memory_space<vmem>> -> memref<128xi32, #tpu.memory_space<vmem>>
    %dma_start3A_71 = arith.constant 0 : i32
    %dma_start3A_72 = arith.constant 0 : i32
    %dma_start3A_73 = tpu.memref_slice %arg2[%dma_start3A_71, %dma_start3A_72] : memref<1000000x64xf32, #tpu.memory_space<hbm>> -> memref<1000000x64xf32, #tpu.memory_space<hbm>>
    tpu.enqueue_indirect_dma source(%dma_start3A_73 : memref<1000000x64xf32, #tpu.memory_space<hbm>>) target(%dma_start3A_68 : memref<128x64xf32, #tpu.memory_space<vmem>>) offsets(%dma_start3A_70 : memref<128xi32, #tpu.memory_space<vmem>>) semaphore(%arg7 : memref<!tpu.dma_semaphore, #tpu.memory_space<semaphore_mem>>)
    %dma_start3A_74 = arith.constant 1152 : i32
    %dma_start3A_75 = arith.constant 0 : i32
    %dma_start3A_76 = tpu.memref_slice %arg6[%dma_start3A_74, %dma_start3A_75] : memref<1600x64xf32, #tpu.memory_space<vmem>> -> memref<128x64xf32, #tpu.memory_space<vmem>>
    %dma_start3A_77 = arith.constant 1152 : i32
    %dma_start3A_78 = tpu.memref_slice %arg5[%dma_start3A_77] : memref<1600xi32, #tpu.memory_space<vmem>> -> memref<128xi32, #tpu.memory_space<vmem>>
    %dma_start3A_79 = arith.constant 0 : i32
    %dma_start3A_80 = arith.constant 0 : i32
    %dma_start3A_81 = tpu.memref_slice %arg2[%dma_start3A_79, %dma_start3A_80] : memref<1000000x64xf32, #tpu.memory_space<hbm>> -> memref<1000000x64xf32, #tpu.memory_space<hbm>>
    tpu.enqueue_indirect_dma source(%dma_start3A_81 : memref<1000000x64xf32, #tpu.memory_space<hbm>>) target(%dma_start3A_76 : memref<128x64xf32, #tpu.memory_space<vmem>>) offsets(%dma_start3A_78 : memref<128xi32, #tpu.memory_space<vmem>>) semaphore(%arg7 : memref<!tpu.dma_semaphore, #tpu.memory_space<semaphore_mem>>)
    %dma_start3A_82 = arith.constant 1280 : i32
    %dma_start3A_83 = arith.constant 0 : i32
    %dma_start3A_84 = tpu.memref_slice %arg6[%dma_start3A_82, %dma_start3A_83] : memref<1600x64xf32, #tpu.memory_space<vmem>> -> memref<128x64xf32, #tpu.memory_space<vmem>>
    %dma_start3A_85 = arith.constant 1280 : i32
    %dma_start3A_86 = tpu.memref_slice %arg5[%dma_start3A_85] : memref<1600xi32, #tpu.memory_space<vmem>> -> memref<128xi32, #tpu.memory_space<vmem>>
    %dma_start3A_87 = arith.constant 0 : i32
    %dma_start3A_88 = arith.constant 0 : i32
    %dma_start3A_89 = tpu.memref_slice %arg2[%dma_start3A_87, %dma_start3A_88] : memref<1000000x64xf32, #tpu.memory_space<hbm>> -> memref<1000000x64xf32, #tpu.memory_space<hbm>>
    tpu.enqueue_indirect_dma source(%dma_start3A_89 : memref<1000000x64xf32, #tpu.memory_space<hbm>>) target(%dma_start3A_84 : memref<128x64xf32, #tpu.memory_space<vmem>>) offsets(%dma_start3A_86 : memref<128xi32, #tpu.memory_space<vmem>>) semaphore(%arg7 : memref<!tpu.dma_semaphore, #tpu.memory_space<semaphore_mem>>)
    %dma_start3A_90 = arith.constant 1408 : i32
    %dma_start3A_91 = arith.constant 0 : i32
    %dma_start3A_92 = tpu.memref_slice %arg6[%dma_start3A_90, %dma_start3A_91] : memref<1600x64xf32, #tpu.memory_space<vmem>> -> memref<128x64xf32, #tpu.memory_space<vmem>>
    %dma_start3A_93 = arith.constant 1408 : i32
    %dma_start3A_94 = tpu.memref_slice %arg5[%dma_start3A_93] : memref<1600xi32, #tpu.memory_space<vmem>> -> memref<128xi32, #tpu.memory_space<vmem>>
    %dma_start3A_95 = arith.constant 0 : i32
    %dma_start3A_96 = arith.constant 0 : i32
    %dma_start3A_97 = tpu.memref_slice %arg2[%dma_start3A_95, %dma_start3A_96] : memref<1000000x64xf32, #tpu.memory_space<hbm>> -> memref<1000000x64xf32, #tpu.memory_space<hbm>>
    tpu.enqueue_indirect_dma source(%dma_start3A_97 : memref<1000000x64xf32, #tpu.memory_space<hbm>>) target(%dma_start3A_92 : memref<128x64xf32, #tpu.memory_space<vmem>>) offsets(%dma_start3A_94 : memref<128xi32, #tpu.memory_space<vmem>>) semaphore(%arg7 : memref<!tpu.dma_semaphore, #tpu.memory_space<semaphore_mem>>)
    %dma_start3A_98 = arith.constant 1536 : i32
    %dma_start3A_99 = arith.constant 0 : i32
    %dma_start3A_100 = tpu.memref_slice %arg6[%dma_start3A_98, %dma_start3A_99] : memref<1600x64xf32, #tpu.memory_space<vmem>> -> memref<64x64xf32, #tpu.memory_space<vmem>>
    %dma_start3A_101 = arith.constant 1536 : i32
    %dma_start3A_102 = tpu.memref_slice %arg5[%dma_start3A_101] : memref<1600xi32, #tpu.memory_space<vmem>> -> memref<64xi32, #tpu.memory_space<vmem>>
    %dma_start3A_103 = arith.constant 0 : i32
    %dma_start3A_104 = arith.constant 0 : i32
    %dma_start3A_105 = tpu.memref_slice %arg2[%dma_start3A_103, %dma_start3A_104] : memref<1000000x64xf32, #tpu.memory_space<hbm>> -> memref<1000000x64xf32, #tpu.memory_space<hbm>>
    tpu.enqueue_indirect_dma source(%dma_start3A_105 : memref<1000000x64xf32, #tpu.memory_space<hbm>>) target(%dma_start3A_100 : memref<64x64xf32, #tpu.memory_space<vmem>>) offsets(%dma_start3A_102 : memref<64xi32, #tpu.memory_space<vmem>>) semaphore(%arg7 : memref<!tpu.dma_semaphore, #tpu.memory_space<semaphore_mem>>)
    %dma_wait3A = arith.constant 0 : i32
    %dma_wait3A_106 = arith.constant 0 : i32
    %dma_wait3A_107 = tpu.memref_slice %arg6[%dma_wait3A, %dma_wait3A_106] : memref<1600x64xf32, #tpu.memory_space<vmem>> -> memref<128x64xf32, #tpu.memory_space<vmem>>
    %dma_wait3A_108 = arith.constant 0 : i32
    %dma_wait3A_109 = tpu.memref_slice %arg5[%dma_wait3A_108] : memref<1600xi32, #tpu.memory_space<vmem>> -> memref<128xi32, #tpu.memory_space<vmem>>
    %dma_wait3A_110 = arith.constant 0 : i32
    %dma_wait3A_111 = arith.constant 0 : i32
    %dma_wait3A_112 = tpu.memref_slice %arg2[%dma_wait3A_110, %dma_wait3A_111] : memref<1000000x64xf32, #tpu.memory_space<hbm>> -> memref<1000000x64xf32, #tpu.memory_space<hbm>>
    tpu.wait_indirect_dma semaphore(%arg7 : memref<!tpu.dma_semaphore, #tpu.memory_space<semaphore_mem>>) src(%dma_wait3A_112 : memref<1000000x64xf32, #tpu.memory_space<hbm>>) dst(%dma_wait3A_107 : memref<128x64xf32, #tpu.memory_space<vmem>>)
    %dma_wait3A_113 = arith.constant 128 : i32
    %dma_wait3A_114 = arith.constant 0 : i32
    %dma_wait3A_115 = tpu.memref_slice %arg6[%dma_wait3A_113, %dma_wait3A_114] : memref<1600x64xf32, #tpu.memory_space<vmem>> -> memref<128x64xf32, #tpu.memory_space<vmem>>
    %dma_wait3A_116 = arith.constant 128 : i32
    %dma_wait3A_117 = tpu.memref_slice %arg5[%dma_wait3A_116] : memref<1600xi32, #tpu.memory_space<vmem>> -> memref<128xi32, #tpu.memory_space<vmem>>
    %dma_wait3A_118 = arith.constant 0 : i32
    %dma_wait3A_119 = arith.constant 0 : i32
    %dma_wait3A_120 = tpu.memref_slice %arg2[%dma_wait3A_118, %dma_wait3A_119] : memref<1000000x64xf32, #tpu.memory_space<hbm>> -> memref<1000000x64xf32, #tpu.memory_space<hbm>>
    tpu.wait_indirect_dma semaphore(%arg7 : memref<!tpu.dma_semaphore, #tpu.memory_space<semaphore_mem>>) src(%dma_wait3A_120 : memref<1000000x64xf32, #tpu.memory_space<hbm>>) dst(%dma_wait3A_115 : memref<128x64xf32, #tpu.memory_space<vmem>>)
    %dma_wait3A_121 = arith.constant 256 : i32
    %dma_wait3A_122 = arith.constant 0 : i32
    %dma_wait3A_123 = tpu.memref_slice %arg6[%dma_wait3A_121, %dma_wait3A_122] : memref<1600x64xf32, #tpu.memory_space<vmem>> -> memref<128x64xf32, #tpu.memory_space<vmem>>
    %dma_wait3A_124 = arith.constant 256 : i32
    %dma_wait3A_125 = tpu.memref_slice %arg5[%dma_wait3A_124] : memref<1600xi32, #tpu.memory_space<vmem>> -> memref<128xi32, #tpu.memory_space<vmem>>
    %dma_wait3A_126 = arith.constant 0 : i32
    %dma_wait3A_127 = arith.constant 0 : i32
    %dma_wait3A_128 = tpu.memref_slice %arg2[%dma_wait3A_126, %dma_wait3A_127] : memref<1000000x64xf32, #tpu.memory_space<hbm>> -> memref<1000000x64xf32, #tpu.memory_space<hbm>>
    tpu.wait_indirect_dma semaphore(%arg7 : memref<!tpu.dma_semaphore, #tpu.memory_space<semaphore_mem>>) src(%dma_wait3A_128 : memref<1000000x64xf32, #tpu.memory_space<hbm>>) dst(%dma_wait3A_123 : memref<128x64xf32, #tpu.memory_space<vmem>>)
    %dma_wait3A_129 = arith.constant 384 : i32
    %dma_wait3A_130 = arith.constant 0 : i32
    %dma_wait3A_131 = tpu.memref_slice %arg6[%dma_wait3A_129, %dma_wait3A_130] : memref<1600x64xf32, #tpu.memory_space<vmem>> -> memref<128x64xf32, #tpu.memory_space<vmem>>
    %dma_wait3A_132 = arith.constant 384 : i32
    %dma_wait3A_133 = tpu.memref_slice %arg5[%dma_wait3A_132] : memref<1600xi32, #tpu.memory_space<vmem>> -> memref<128xi32, #tpu.memory_space<vmem>>
    %dma_wait3A_134 = arith.constant 0 : i32
    %dma_wait3A_135 = arith.constant 0 : i32
    %dma_wait3A_136 = tpu.memref_slice %arg2[%dma_wait3A_134, %dma_wait3A_135] : memref<1000000x64xf32, #tpu.memory_space<hbm>> -> memref<1000000x64xf32, #tpu.memory_space<hbm>>
    tpu.wait_indirect_dma semaphore(%arg7 : memref<!tpu.dma_semaphore, #tpu.memory_space<semaphore_mem>>) src(%dma_wait3A_136 : memref<1000000x64xf32, #tpu.memory_space<hbm>>) dst(%dma_wait3A_131 : memref<128x64xf32, #tpu.memory_space<vmem>>)
    %dma_wait3A_137 = arith.constant 512 : i32
    %dma_wait3A_138 = arith.constant 0 : i32
    %dma_wait3A_139 = tpu.memref_slice %arg6[%dma_wait3A_137, %dma_wait3A_138] : memref<1600x64xf32, #tpu.memory_space<vmem>> -> memref<128x64xf32, #tpu.memory_space<vmem>>
    %dma_wait3A_140 = arith.constant 512 : i32
    %dma_wait3A_141 = tpu.memref_slice %arg5[%dma_wait3A_140] : memref<1600xi32, #tpu.memory_space<vmem>> -> memref<128xi32, #tpu.memory_space<vmem>>
    %dma_wait3A_142 = arith.constant 0 : i32
    %dma_wait3A_143 = arith.constant 0 : i32
    %dma_wait3A_144 = tpu.memref_slice %arg2[%dma_wait3A_142, %dma_wait3A_143] : memref<1000000x64xf32, #tpu.memory_space<hbm>> -> memref<1000000x64xf32, #tpu.memory_space<hbm>>
    tpu.wait_indirect_dma semaphore(%arg7 : memref<!tpu.dma_semaphore, #tpu.memory_space<semaphore_mem>>) src(%dma_wait3A_144 : memref<1000000x64xf32, #tpu.memory_space<hbm>>) dst(%dma_wait3A_139 : memref<128x64xf32, #tpu.memory_space<vmem>>)
    %dma_wait3A_145 = arith.constant 640 : i32
    %dma_wait3A_146 = arith.constant 0 : i32
    %dma_wait3A_147 = tpu.memref_slice %arg6[%dma_wait3A_145, %dma_wait3A_146] : memref<1600x64xf32, #tpu.memory_space<vmem>> -> memref<128x64xf32, #tpu.memory_space<vmem>>
    %dma_wait3A_148 = arith.constant 640 : i32
    %dma_wait3A_149 = tpu.memref_slice %arg5[%dma_wait3A_148] : memref<1600xi32, #tpu.memory_space<vmem>> -> memref<128xi32, #tpu.memory_space<vmem>>
    %dma_wait3A_150 = arith.constant 0 : i32
    %dma_wait3A_151 = arith.constant 0 : i32
    %dma_wait3A_152 = tpu.memref_slice %arg2[%dma_wait3A_150, %dma_wait3A_151] : memref<1000000x64xf32, #tpu.memory_space<hbm>> -> memref<1000000x64xf32, #tpu.memory_space<hbm>>
    tpu.wait_indirect_dma semaphore(%arg7 : memref<!tpu.dma_semaphore, #tpu.memory_space<semaphore_mem>>) src(%dma_wait3A_152 : memref<1000000x64xf32, #tpu.memory_space<hbm>>) dst(%dma_wait3A_147 : memref<128x64xf32, #tpu.memory_space<vmem>>)
    %dma_wait3A_153 = arith.constant 768 : i32
    %dma_wait3A_154 = arith.constant 0 : i32
    %dma_wait3A_155 = tpu.memref_slice %arg6[%dma_wait3A_153, %dma_wait3A_154] : memref<1600x64xf32, #tpu.memory_space<vmem>> -> memref<128x64xf32, #tpu.memory_space<vmem>>
    %dma_wait3A_156 = arith.constant 768 : i32
    %dma_wait3A_157 = tpu.memref_slice %arg5[%dma_wait3A_156] : memref<1600xi32, #tpu.memory_space<vmem>> -> memref<128xi32, #tpu.memory_space<vmem>>
    %dma_wait3A_158 = arith.constant 0 : i32
    %dma_wait3A_159 = arith.constant 0 : i32
    %dma_wait3A_160 = tpu.memref_slice %arg2[%dma_wait3A_158, %dma_wait3A_159] : memref<1000000x64xf32, #tpu.memory_space<hbm>> -> memref<1000000x64xf32, #tpu.memory_space<hbm>>
    tpu.wait_indirect_dma semaphore(%arg7 : memref<!tpu.dma_semaphore, #tpu.memory_space<semaphore_mem>>) src(%dma_wait3A_160 : memref<1000000x64xf32, #tpu.memory_space<hbm>>) dst(%dma_wait3A_155 : memref<128x64xf32, #tpu.memory_space<vmem>>)
    %dma_wait3A_161 = arith.constant 896 : i32
    %dma_wait3A_162 = arith.constant 0 : i32
    %dma_wait3A_163 = tpu.memref_slice %arg6[%dma_wait3A_161, %dma_wait3A_162] : memref<1600x64xf32, #tpu.memory_space<vmem>> -> memref<128x64xf32, #tpu.memory_space<vmem>>
    %dma_wait3A_164 = arith.constant 896 : i32
    %dma_wait3A_165 = tpu.memref_slice %arg5[%dma_wait3A_164] : memref<1600xi32, #tpu.memory_space<vmem>> -> memref<128xi32, #tpu.memory_space<vmem>>
    %dma_wait3A_166 = arith.constant 0 : i32
    %dma_wait3A_167 = arith.constant 0 : i32
    %dma_wait3A_168 = tpu.memref_slice %arg2[%dma_wait3A_166, %dma_wait3A_167] : memref<1000000x64xf32, #tpu.memory_space<hbm>> -> memref<1000000x64xf32, #tpu.memory_space<hbm>>
    tpu.wait_indirect_dma semaphore(%arg7 : memref<!tpu.dma_semaphore, #tpu.memory_space<semaphore_mem>>) src(%dma_wait3A_168 : memref<1000000x64xf32, #tpu.memory_space<hbm>>) dst(%dma_wait3A_163 : memref<128x64xf32, #tpu.memory_space<vmem>>)
    %dma_wait3A_169 = arith.constant 1024 : i32
    %dma_wait3A_170 = arith.constant 0 : i32
    %dma_wait3A_171 = tpu.memref_slice %arg6[%dma_wait3A_169, %dma_wait3A_170] : memref<1600x64xf32, #tpu.memory_space<vmem>> -> memref<128x64xf32, #tpu.memory_space<vmem>>
    %dma_wait3A_172 = arith.constant 1024 : i32
    %dma_wait3A_173 = tpu.memref_slice %arg5[%dma_wait3A_172] : memref<1600xi32, #tpu.memory_space<vmem>> -> memref<128xi32, #tpu.memory_space<vmem>>
    %dma_wait3A_174 = arith.constant 0 : i32
    %dma_wait3A_175 = arith.constant 0 : i32
    %dma_wait3A_176 = tpu.memref_slice %arg2[%dma_wait3A_174, %dma_wait3A_175] : memref<1000000x64xf32, #tpu.memory_space<hbm>> -> memref<1000000x64xf32, #tpu.memory_space<hbm>>
    tpu.wait_indirect_dma semaphore(%arg7 : memref<!tpu.dma_semaphore, #tpu.memory_space<semaphore_mem>>) src(%dma_wait3A_176 : memref<1000000x64xf32, #tpu.memory_space<hbm>>) dst(%dma_wait3A_171 : memref<128x64xf32, #tpu.memory_space<vmem>>)
    %dma_wait3A_177 = arith.constant 1152 : i32
    %dma_wait3A_178 = arith.constant 0 : i32
    %dma_wait3A_179 = tpu.memref_slice %arg6[%dma_wait3A_177, %dma_wait3A_178] : memref<1600x64xf32, #tpu.memory_space<vmem>> -> memref<128x64xf32, #tpu.memory_space<vmem>>
    %dma_wait3A_180 = arith.constant 1152 : i32
    %dma_wait3A_181 = tpu.memref_slice %arg5[%dma_wait3A_180] : memref<1600xi32, #tpu.memory_space<vmem>> -> memref<128xi32, #tpu.memory_space<vmem>>
    %dma_wait3A_182 = arith.constant 0 : i32
    %dma_wait3A_183 = arith.constant 0 : i32
    %dma_wait3A_184 = tpu.memref_slice %arg2[%dma_wait3A_182, %dma_wait3A_183] : memref<1000000x64xf32, #tpu.memory_space<hbm>> -> memref<1000000x64xf32, #tpu.memory_space<hbm>>
    tpu.wait_indirect_dma semaphore(%arg7 : memref<!tpu.dma_semaphore, #tpu.memory_space<semaphore_mem>>) src(%dma_wait3A_184 : memref<1000000x64xf32, #tpu.memory_space<hbm>>) dst(%dma_wait3A_179 : memref<128x64xf32, #tpu.memory_space<vmem>>)
    %dma_wait3A_185 = arith.constant 1280 : i32
    %dma_wait3A_186 = arith.constant 0 : i32
    %dma_wait3A_187 = tpu.memref_slice %arg6[%dma_wait3A_185, %dma_wait3A_186] : memref<1600x64xf32, #tpu.memory_space<vmem>> -> memref<128x64xf32, #tpu.memory_space<vmem>>
    %dma_wait3A_188 = arith.constant 1280 : i32
    %dma_wait3A_189 = tpu.memref_slice %arg5[%dma_wait3A_188] : memref<1600xi32, #tpu.memory_space<vmem>> -> memref<128xi32, #tpu.memory_space<vmem>>
    %dma_wait3A_190 = arith.constant 0 : i32
    %dma_wait3A_191 = arith.constant 0 : i32
    %dma_wait3A_192 = tpu.memref_slice %arg2[%dma_wait3A_190, %dma_wait3A_191] : memref<1000000x64xf32, #tpu.memory_space<hbm>> -> memref<1000000x64xf32, #tpu.memory_space<hbm>>
    tpu.wait_indirect_dma semaphore(%arg7 : memref<!tpu.dma_semaphore, #tpu.memory_space<semaphore_mem>>) src(%dma_wait3A_192 : memref<1000000x64xf32, #tpu.memory_space<hbm>>) dst(%dma_wait3A_187 : memref<128x64xf32, #tpu.memory_space<vmem>>)
    %dma_wait3A_193 = arith.constant 1408 : i32
    %dma_wait3A_194 = arith.constant 0 : i32
    %dma_wait3A_195 = tpu.memref_slice %arg6[%dma_wait3A_193, %dma_wait3A_194] : memref<1600x64xf32, #tpu.memory_space<vmem>> -> memref<128x64xf32, #tpu.memory_space<vmem>>
    %dma_wait3A_196 = arith.constant 1408 : i32
    %dma_wait3A_197 = tpu.memref_slice %arg5[%dma_wait3A_196] : memref<1600xi32, #tpu.memory_space<vmem>> -> memref<128xi32, #tpu.memory_space<vmem>>
    %dma_wait3A_198 = arith.constant 0 : i32
    %dma_wait3A_199 = arith.constant 0 : i32
    %dma_wait3A_200 = tpu.memref_slice %arg2[%dma_wait3A_198, %dma_wait3A_199] : memref<1000000x64xf32, #tpu.memory_space<hbm>> -> memref<1000000x64xf32, #tpu.memory_space<hbm>>
    tpu.wait_indirect_dma semaphore(%arg7 : memref<!tpu.dma_semaphore, #tpu.memory_space<semaphore_mem>>) src(%dma_wait3A_200 : memref<1000000x64xf32, #tpu.memory_space<hbm>>) dst(%dma_wait3A_195 : memref<128x64xf32, #tpu.memory_space<vmem>>)
    %dma_wait3A_201 = arith.constant 1536 : i32
    %dma_wait3A_202 = arith.constant 0 : i32
    %dma_wait3A_203 = tpu.memref_slice %arg6[%dma_wait3A_201, %dma_wait3A_202] : memref<1600x64xf32, #tpu.memory_space<vmem>> -> memref<64x64xf32, #tpu.memory_space<vmem>>
    %dma_wait3A_204 = arith.constant 1536 : i32
    %dma_wait3A_205 = tpu.memref_slice %arg5[%dma_wait3A_204] : memref<1600xi32, #tpu.memory_space<vmem>> -> memref<64xi32, #tpu.memory_space<vmem>>
    %dma_wait3A_206 = arith.constant 0 : i32
    %dma_wait3A_207 = arith.constant 0 : i32
    %dma_wait3A_208 = tpu.memref_slice %arg2[%dma_wait3A_206, %dma_wait3A_207] : memref<1000000x64xf32, #tpu.memory_space<hbm>> -> memref<1000000x64xf32, #tpu.memory_space<hbm>>
    tpu.wait_indirect_dma semaphore(%arg7 : memref<!tpu.dma_semaphore, #tpu.memory_space<semaphore_mem>>) src(%dma_wait3A_208 : memref<1000000x64xf32, #tpu.memory_space<hbm>>) dst(%dma_wait3A_203 : memref<64x64xf32, #tpu.memory_space<vmem>>)
    "tpu.region"() ({
      %run_scoped3A = tpu.sem_alloc : memref<!tpu.dma_semaphore, #tpu.memory_space<semaphore_mem>>
      %dma_start3A_209 = arith.constant 0 : i32
      %dma_start3A_210 = tpu.memref_slice %arg4[%mul3A_2, %dma_start3A_209] : memref<51200x64xf32, #tpu.memory_space<hbm>> -> memref<1600x64xf32, #tpu.memory_space<hbm>>
      %dma_start3A_211 = arith.constant 0 : i32
      %dma_start3A_212 = tpu.memref_slice %arg4[%mul3A_2, %dma_start3A_211] : memref<51200x64xf32, #tpu.memory_space<hbm>> -> memref<1600x64xf32, #tpu.memory_space<hbm>>
      tpu.enqueue_dma source(%arg6 : memref<1600x64xf32, #tpu.memory_space<vmem>>) target(%dma_start3A_212 : memref<1600x64xf32, #tpu.memory_space<hbm>>) target_semaphore(%run_scoped3A : memref<!tpu.dma_semaphore, #tpu.memory_space<semaphore_mem>>)
      %dma_wait3A_213 = arith.constant 0 : i32
      %dma_wait3A_214 = tpu.memref_slice %arg4[%mul3A_2, %dma_wait3A_213] : memref<51200x64xf32, #tpu.memory_space<hbm>> -> memref<1600x64xf32, #tpu.memory_space<hbm>>
      %dma_wait3A_215 = arith.constant 0 : i32
      %dma_wait3A_216 = tpu.memref_slice %arg4[%mul3A_2, %dma_wait3A_215] : memref<51200x64xf32, #tpu.memory_space<hbm>> -> memref<1600x64xf32, #tpu.memory_space<hbm>>
      tpu.wait_dma2 semaphore(%run_scoped3A : memref<!tpu.dma_semaphore, #tpu.memory_space<semaphore_mem>>) src(%arg6 : memref<1600x64xf32, #tpu.memory_space<vmem>>) dst(%dma_wait3A_216 : memref<1600x64xf32, #tpu.memory_space<hbm>>)
      tpu.yield
    }) : () -> ()
    return
  }
}

module attributes {stable_mosaic.version = 14 : i64} {
  func.func @_dense_body(%arg0: i32, %arg1: memref<3200x64xf32, #tpu.memory_space<vmem>>, %arg2: memref<50x64xf32, #tpu.memory_space<vmem>>, %arg3: memref<64x50x50xf32, #tpu.memory_space<vmem>>, %arg4: memref<64x50x50xf32, #tpu.memory_space<vmem>>, %arg5: memref<1x128xf32, #tpu.memory_space<vmem>>, %arg6: memref<1x128xf32, #tpu.memory_space<vmem>>, %arg7: memref<128x128xf32, #tpu.memory_space<vmem>>, %arg8: memref<1x128xf32, #tpu.memory_space<vmem>>, %arg9: memref<128x128xf32, #tpu.memory_space<vmem>>, %arg10: memref<1x128xf32, #tpu.memory_space<vmem>>, %arg11: memref<384x256xf32, #tpu.memory_space<vmem>>, %arg12: memref<384x128xf32, #tpu.memory_space<vmem>>, %arg13: memref<1x384xf32, #tpu.memory_space<vmem>>, %arg14: memref<1x384xf32, #tpu.memory_space<vmem>>, %arg15: memref<1x128xf32, #tpu.memory_space<vmem>>, %arg16: memref<1x128xf32, #tpu.memory_space<vmem>>, %arg17: memref<64x50x128xf32, #tpu.memory_space<vmem>>) attributes {dimension_semantics = [#tpu.dimension_semantics<arbitrary>], iteration_bounds = array<i64: 16>, scalar_prefetch = 0 : i64, scratch_operands = 0 : i64, tpu.core_type = #tpu.core_type<tc>, window_params = [{transform_indices = @transform_0, window_bounds = array<i64: 3200, 64>}, {pipeline_mode = #tpu.pipeline_mode<synchronous>, transform_indices = @transform_1, window_bounds = array<i64: 50, 64>}, {transform_indices = @transform_2, window_bounds = array<i64: 64, 50, 50>}, {transform_indices = @transform_3, window_bounds = array<i64: 64, 50, 50>}, {pipeline_mode = #tpu.pipeline_mode<synchronous>, transform_indices = @transform_4, window_bounds = array<i64: 1, 128>}, {pipeline_mode = #tpu.pipeline_mode<synchronous>, transform_indices = @transform_5, window_bounds = array<i64: 1, 128>}, {pipeline_mode = #tpu.pipeline_mode<synchronous>, transform_indices = @transform_6, window_bounds = array<i64: 128, 128>}, {pipeline_mode = #tpu.pipeline_mode<synchronous>, transform_indices = @transform_7, window_bounds = array<i64: 1, 128>}, {pipeline_mode = #tpu.pipeline_mode<synchronous>, transform_indices = @transform_8, window_bounds = array<i64: 128, 128>}, {pipeline_mode = #tpu.pipeline_mode<synchronous>, transform_indices = @transform_9, window_bounds = array<i64: 1, 128>}, {pipeline_mode = #tpu.pipeline_mode<synchronous>, transform_indices = @transform_10, window_bounds = array<i64: 384, 256>}, {pipeline_mode = #tpu.pipeline_mode<synchronous>, transform_indices = @transform_11, window_bounds = array<i64: 384, 128>}, {pipeline_mode = #tpu.pipeline_mode<synchronous>, transform_indices = @transform_12, window_bounds = array<i64: 1, 384>}, {pipeline_mode = #tpu.pipeline_mode<synchronous>, transform_indices = @transform_13, window_bounds = array<i64: 1, 384>}, {pipeline_mode = #tpu.pipeline_mode<synchronous>, transform_indices = @transform_14, window_bounds = array<i64: 1, 128>}, {pipeline_mode = #tpu.pipeline_mode<synchronous>, transform_indices = @transform_15, window_bounds = array<i64: 1, 128>}, {transform_indices = @transform_16, window_bounds = array<i64: 64, 50, 128>}]} {
    %get3A = arith.constant 0 : index
    %get3A_0 = arith.constant 0 : index
    %get3A_1 = vector.load %arg1[%get3A, %get3A_0] : memref<3200x64xf32, #tpu.memory_space<vmem>>, vector<3200x64xf32>
    %mul3A = arith.mulf %get3A_1, %get3A_1 : vector<3200x64xf32>
    %reduce_sum3A = arith.constant dense<0.000000e+00> : vector<3200xf32>
    %reduce_sum3A_2 = vector.multi_reduction <add>, %mul3A, %reduce_sum3A [1] : vector<3200x64xf32> to vector<3200xf32>
    %broadcast_in_dim3A = vector.shape_cast %reduce_sum3A_2 : vector<3200xf32> to vector<3200x1xf32>
    %sqrt3A = math.sqrt %broadcast_in_dim3A : vector<3200x1xf32>
    %max3A = arith.constant 1.000000e-07 : f32
    %max3A_3 = vector.broadcast %max3A : f32 to vector<3200x1xf32>
    %max3A_4 = arith.maximumf %sqrt3A, %max3A_3 : vector<3200x1xf32>
    %div3A = arith.constant 1.500000e+00 : f32
    %div3A_5 = vector.broadcast %div3A : f32 to vector<3200x1xf32>
    %div3A_6 = arith.divf %div3A_5, %max3A_4 : vector<3200x1xf32>
    %min3A = arith.constant 1.000000e+00 : f32
    %min3A_7 = vector.broadcast %min3A : f32 to vector<3200x1xf32>
    %min3A_8 = arith.minimumf %min3A_7, %div3A_6 : vector<3200x1xf32>
    %mul3A_9 = vector.broadcast %min3A_8 : vector<3200x1xf32> to vector<3200x64xf32>
    %mul3A_10 = arith.mulf %get3A_1, %mul3A_9 : vector<3200x64xf32>
    %get3A_11 = arith.constant 0 : index
    %get3A_12 = arith.constant 0 : index
    %get3A_13 = vector.load %arg2[%get3A_11, %get3A_12] : memref<50x64xf32, #tpu.memory_space<vmem>>, vector<50x64xf32>
    %mul3A_14 = arith.mulf %get3A_13, %get3A_13 : vector<50x64xf32>
    %reduce_sum3A_15 = arith.constant dense<0.000000e+00> : vector<50xf32>
    %reduce_sum3A_16 = vector.multi_reduction <add>, %mul3A_14, %reduce_sum3A_15 [1] : vector<50x64xf32> to vector<50xf32>
    %broadcast_in_dim3A_17 = vector.shape_cast %reduce_sum3A_16 : vector<50xf32> to vector<50x1xf32>
    %sqrt3A_18 = math.sqrt %broadcast_in_dim3A_17 : vector<50x1xf32>
    %max3A_19 = arith.constant 1.000000e-07 : f32
    %max3A_20 = vector.broadcast %max3A_19 : f32 to vector<50x1xf32>
    %max3A_21 = arith.maximumf %sqrt3A_18, %max3A_20 : vector<50x1xf32>
    %div3A_22 = arith.constant 1.500000e+00 : f32
    %div3A_23 = vector.broadcast %div3A_22 : f32 to vector<50x1xf32>
    %div3A_24 = arith.divf %div3A_23, %max3A_21 : vector<50x1xf32>
    %min3A_25 = arith.constant 1.000000e+00 : f32
    %min3A_26 = vector.broadcast %min3A_25 : f32 to vector<50x1xf32>
    %min3A_27 = arith.minimumf %min3A_26, %div3A_24 : vector<50x1xf32>
    %mul3A_28 = vector.broadcast %min3A_27 : vector<50x1xf32> to vector<50x64xf32>
    %mul3A_29 = arith.mulf %get3A_13, %mul3A_28 : vector<50x64xf32>
    %concatenate3A = tpu.concatenate %mul3A_29, %mul3A_29, %mul3A_29, %mul3A_29, %mul3A_29, %mul3A_29, %mul3A_29, %mul3A_29, %mul3A_29, %mul3A_29, %mul3A_29, %mul3A_29, %mul3A_29, %mul3A_29, %mul3A_29, %mul3A_29, %mul3A_29, %mul3A_29, %mul3A_29, %mul3A_29, %mul3A_29, %mul3A_29, %mul3A_29, %mul3A_29, %mul3A_29, %mul3A_29, %mul3A_29, %mul3A_29, %mul3A_29, %mul3A_29, %mul3A_29, %mul3A_29, %mul3A_29, %mul3A_29, %mul3A_29, %mul3A_29, %mul3A_29, %mul3A_29, %mul3A_29, %mul3A_29, %mul3A_29, %mul3A_29, %mul3A_29, %mul3A_29, %mul3A_29, %mul3A_29, %mul3A_29, %mul3A_29, %mul3A_29, %mul3A_29, %mul3A_29, %mul3A_29, %mul3A_29, %mul3A_29, %mul3A_29, %mul3A_29, %mul3A_29, %mul3A_29, %mul3A_29, %mul3A_29, %mul3A_29, %mul3A_29, %mul3A_29, %mul3A_29 in 0 : vector<50x64xf32>, vector<50x64xf32>, vector<50x64xf32>, vector<50x64xf32>, vector<50x64xf32>, vector<50x64xf32>, vector<50x64xf32>, vector<50x64xf32>, vector<50x64xf32>, vector<50x64xf32>, vector<50x64xf32>, vector<50x64xf32>, vector<50x64xf32>, vector<50x64xf32>, vector<50x64xf32>, vector<50x64xf32>, vector<50x64xf32>, vector<50x64xf32>, vector<50x64xf32>, vector<50x64xf32>, vector<50x64xf32>, vector<50x64xf32>, vector<50x64xf32>, vector<50x64xf32>, vector<50x64xf32>, vector<50x64xf32>, vector<50x64xf32>, vector<50x64xf32>, vector<50x64xf32>, vector<50x64xf32>, vector<50x64xf32>, vector<50x64xf32>, vector<50x64xf32>, vector<50x64xf32>, vector<50x64xf32>, vector<50x64xf32>, vector<50x64xf32>, vector<50x64xf32>, vector<50x64xf32>, vector<50x64xf32>, vector<50x64xf32>, vector<50x64xf32>, vector<50x64xf32>, vector<50x64xf32>, vector<50x64xf32>, vector<50x64xf32>, vector<50x64xf32>, vector<50x64xf32>, vector<50x64xf32>, vector<50x64xf32>, vector<50x64xf32>, vector<50x64xf32>, vector<50x64xf32>, vector<50x64xf32>, vector<50x64xf32>, vector<50x64xf32>, vector<50x64xf32>, vector<50x64xf32>, vector<50x64xf32>, vector<50x64xf32>, vector<50x64xf32>, vector<50x64xf32>, vector<50x64xf32>, vector<50x64xf32> -> vector<3200x64xf32>
    %concatenate3A_30 = tpu.concatenate %mul3A_10, %concatenate3A in 1 : vector<3200x64xf32>, vector<3200x64xf32> -> vector<3200x128xf32>
    %reduce_sum3A_31 = arith.constant dense<0.000000e+00> : vector<3200xf32>
    %reduce_sum3A_32 = vector.multi_reduction <add>, %concatenate3A_30, %reduce_sum3A_31 [1] : vector<3200x128xf32> to vector<3200xf32>
    %broadcast_in_dim3A_33 = vector.shape_cast %reduce_sum3A_32 : vector<3200xf32> to vector<3200x1xf32>
    %div3A_34 = arith.constant 1.280000e+02 : f32
    %div3A_35 = vector.broadcast %div3A_34 : f32 to vector<3200x1xf32>
    %div3A_36 = arith.divf %broadcast_in_dim3A_33, %div3A_35 : vector<3200x1xf32>
    %sub3A = vector.broadcast %div3A_36 : vector<3200x1xf32> to vector<3200x128xf32>
    %sub3A_37 = arith.subf %concatenate3A_30, %sub3A : vector<3200x128xf32>
    %integer_pow3A = arith.mulf %sub3A_37, %sub3A_37 : vector<3200x128xf32>
    %reduce_sum3A_38 = arith.constant dense<0.000000e+00> : vector<3200xf32>
    %reduce_sum3A_39 = vector.multi_reduction <add>, %integer_pow3A, %reduce_sum3A_38 [1] : vector<3200x128xf32> to vector<3200xf32>
    %broadcast_in_dim3A_40 = vector.shape_cast %reduce_sum3A_39 : vector<3200xf32> to vector<3200x1xf32>
    %div3A_41 = arith.constant 1.280000e+02 : f32
    %div3A_42 = vector.broadcast %div3A_41 : f32 to vector<3200x1xf32>
    %div3A_43 = arith.divf %broadcast_in_dim3A_40, %div3A_42 : vector<3200x1xf32>
    %get3A_44 = arith.constant 0 : index
    %get3A_45 = arith.constant 0 : index
    %get3A_46 = vector.load %arg5[%get3A_44, %get3A_45] : memref<1x128xf32, #tpu.memory_space<vmem>>, vector<1x128xf32>
    %sub3A_47 = vector.broadcast %div3A_36 : vector<3200x1xf32> to vector<3200x128xf32>
    %sub3A_48 = arith.subf %concatenate3A_30, %sub3A_47 : vector<3200x128xf32>
    %add3A = arith.constant 9.99999996E-13 : f32
    %add3A_49 = vector.broadcast %add3A : f32 to vector<3200x1xf32>
    %add3A_50 = arith.addf %div3A_43, %add3A_49 : vector<3200x1xf32>
    %sqrt3A_51 = math.sqrt %add3A_50 : vector<3200x1xf32>
    %div3A_52 = vector.broadcast %sqrt3A_51 : vector<3200x1xf32> to vector<3200x128xf32>
    %div3A_53 = arith.divf %sub3A_48, %div3A_52 : vector<3200x128xf32>
    %mul3A_54 = vector.broadcast %get3A_46 : vector<1x128xf32> to vector<3200x128xf32>
    %mul3A_55 = arith.mulf %mul3A_54, %div3A_53 : vector<3200x128xf32>
    %get3A_56 = arith.constant 0 : index
    %get3A_57 = arith.constant 0 : index
    %get3A_58 = vector.load %arg6[%get3A_56, %get3A_57] : memref<1x128xf32, #tpu.memory_space<vmem>>, vector<1x128xf32>
    %add3A_59 = vector.broadcast %get3A_58 : vector<1x128xf32> to vector<3200x128xf32>
    %add3A_60 = arith.addf %mul3A_55, %add3A_59 : vector<3200x128xf32>
    %get3A_61 = arith.constant 0 : index
    %get3A_62 = arith.constant 0 : index
    %get3A_63 = vector.load %arg7[%get3A_61, %get3A_62] : memref<128x128xf32, #tpu.memory_space<vmem>>, vector<128x128xf32>
    %dot_general3A = arith.constant dense<0.000000e+00> : vector<3200x128xf32>
    %dot_general3A_64 = tpu.matmul %add3A_60, %get3A_63, %dot_general3A {dimension_numbers = #tpu.dot_dimension_numbers<[1], [1], [0], [0], [0, 0, 1, 0], [], []>, transpose_lhs_hint = false} : vector<3200x128xf32>, vector<128x128xf32>, vector<3200x128xf32> -> vector<3200x128xf32>
    %get3A_65 = arith.constant 0 : index
    %get3A_66 = arith.constant 0 : index
    %get3A_67 = vector.load %arg8[%get3A_65, %get3A_66] : memref<1x128xf32, #tpu.memory_space<vmem>>, vector<1x128xf32>
    %add3A_68 = vector.broadcast %get3A_67 : vector<1x128xf32> to vector<3200x128xf32>
    %add3A_69 = arith.addf %dot_general3A_64, %add3A_68 : vector<3200x128xf32>
    %get3A_70 = arith.constant 0 : index
    %get3A_71 = arith.constant 0 : index
    %get3A_72 = vector.load %arg9[%get3A_70, %get3A_71] : memref<128x128xf32, #tpu.memory_space<vmem>>, vector<128x128xf32>
    %dot_general3A_73 = arith.constant dense<0.000000e+00> : vector<3200x128xf32>
    %dot_general3A_74 = tpu.matmul %add3A_60, %get3A_72, %dot_general3A_73 {dimension_numbers = #tpu.dot_dimension_numbers<[1], [1], [0], [0], [0, 0, 1, 0], [], []>, transpose_lhs_hint = false} : vector<3200x128xf32>, vector<128x128xf32>, vector<3200x128xf32> -> vector<3200x128xf32>
    %get3A_75 = arith.constant 0 : index
    %get3A_76 = arith.constant 0 : index
    %get3A_77 = vector.load %arg10[%get3A_75, %get3A_76] : memref<1x128xf32, #tpu.memory_space<vmem>>, vector<1x128xf32>
    %add3A_78 = vector.broadcast %get3A_77 : vector<1x128xf32> to vector<3200x128xf32>
    %add3A_79 = arith.addf %dot_general3A_74, %add3A_78 : vector<3200x128xf32>
    %get3A_80 = arith.constant 0 : index
    %get3A_81 = arith.constant 0 : index
    %get3A_82 = arith.constant 0 : index
    %get3A_83 = vector.load %arg3[%get3A_80, %get3A_81, %get3A_82] : memref<64x50x50xf32, #tpu.memory_space<vmem>>, vector<1x50x50xf32>
    %get3A_84 = vector.shape_cast %get3A_83 : vector<1x50x50xf32> to vector<50x50xf32>
    %slice3A = vector.extract_strided_slice %add3A_69 {offsets = [0, 0], sizes = [50, 128], strides = [1, 1]} : vector<3200x128xf32> to vector<50x128xf32>
    %dot_general3A_85 = arith.constant dense<0.000000e+00> : vector<50x128xf32>
    %dot_general3A_86 = tpu.matmul %get3A_84, %slice3A, %dot_general3A_85 {dimension_numbers = #tpu.dot_dimension_numbers<[1], [0], [0], [1], [0, 0, 1, 1], [], []>, transpose_lhs_hint = false} : vector<50x50xf32>, vector<50x128xf32>, vector<50x128xf32> -> vector<50x128xf32>
    %get3A_87 = arith.constant 0 : index
    %get3A_88 = arith.constant 0 : index
    %get3A_89 = arith.constant 0 : index
    %get3A_90 = vector.load %arg4[%get3A_87, %get3A_88, %get3A_89] : memref<64x50x50xf32, #tpu.memory_space<vmem>>, vector<1x50x50xf32>
    %get3A_91 = vector.shape_cast %get3A_90 : vector<1x50x50xf32> to vector<50x50xf32>
    %slice3A_92 = vector.extract_strided_slice %add3A_79 {offsets = [0, 0], sizes = [50, 128], strides = [1, 1]} : vector<3200x128xf32> to vector<50x128xf32>
    %dot_general3A_93 = arith.constant dense<0.000000e+00> : vector<50x128xf32>
    %dot_general3A_94 = tpu.matmul %get3A_91, %slice3A_92, %dot_general3A_93 {dimension_numbers = #tpu.dot_dimension_numbers<[1], [0], [0], [1], [0, 0, 1, 1], [], []>, transpose_lhs_hint = false} : vector<50x50xf32>, vector<50x128xf32>, vector<50x128xf32> -> vector<50x128xf32>
    %concatenate3A_95 = tpu.concatenate %dot_general3A_86, %dot_general3A_94 in 1 : vector<50x128xf32>, vector<50x128xf32> -> vector<50x256xf32>
    %get3A_96 = arith.constant 1 : index
    %get3A_97 = arith.constant 0 : index
    %get3A_98 = arith.constant 0 : index
    %get3A_99 = vector.load %arg3[%get3A_96, %get3A_97, %get3A_98] : memref<64x50x50xf32, #tpu.memory_space<vmem>>, vector<1x50x50xf32>
    %get3A_100 = vector.shape_cast %get3A_99 : vector<1x50x50xf32> to vector<50x50xf32>
    %slice3A_101 = vector.extract_strided_slice %add3A_69 {offsets = [50, 0], sizes = [50, 128], strides = [1, 1]} : vector<3200x128xf32> to vector<50x128xf32>
    %dot_general3A_102 = arith.constant dense<0.000000e+00> : vector<50x128xf32>
    %dot_general3A_103 = tpu.matmul %get3A_100, %slice3A_101, %dot_general3A_102 {dimension_numbers = #tpu.dot_dimension_numbers<[1], [0], [0], [1], [0, 0, 1, 1], [], []>, transpose_lhs_hint = false} : vector<50x50xf32>, vector<50x128xf32>, vector<50x128xf32> -> vector<50x128xf32>
    %get3A_104 = arith.constant 1 : index
    %get3A_105 = arith.constant 0 : index
    %get3A_106 = arith.constant 0 : index
    %get3A_107 = vector.load %arg4[%get3A_104, %get3A_105, %get3A_106] : memref<64x50x50xf32, #tpu.memory_space<vmem>>, vector<1x50x50xf32>
    %get3A_108 = vector.shape_cast %get3A_107 : vector<1x50x50xf32> to vector<50x50xf32>
    %slice3A_109 = vector.extract_strided_slice %add3A_79 {offsets = [50, 0], sizes = [50, 128], strides = [1, 1]} : vector<3200x128xf32> to vector<50x128xf32>
    %dot_general3A_110 = arith.constant dense<0.000000e+00> : vector<50x128xf32>
    %dot_general3A_111 = tpu.matmul %get3A_108, %slice3A_109, %dot_general3A_110 {dimension_numbers = #tpu.dot_dimension_numbers<[1], [0], [0], [1], [0, 0, 1, 1], [], []>, transpose_lhs_hint = false} : vector<50x50xf32>, vector<50x128xf32>, vector<50x128xf32> -> vector<50x128xf32>
    %concatenate3A_112 = tpu.concatenate %dot_general3A_103, %dot_general3A_111 in 1 : vector<50x128xf32>, vector<50x128xf32> -> vector<50x256xf32>
    %get3A_113 = arith.constant 2 : index
    %get3A_114 = arith.constant 0 : index
    %get3A_115 = arith.constant 0 : index
    %get3A_116 = vector.load %arg3[%get3A_113, %get3A_114, %get3A_115] : memref<64x50x50xf32, #tpu.memory_space<vmem>>, vector<1x50x50xf32>
    %get3A_117 = vector.shape_cast %get3A_116 : vector<1x50x50xf32> to vector<50x50xf32>
    %slice3A_118 = vector.extract_strided_slice %add3A_69 {offsets = [100, 0], sizes = [50, 128], strides = [1, 1]} : vector<3200x128xf32> to vector<50x128xf32>
    %dot_general3A_119 = arith.constant dense<0.000000e+00> : vector<50x128xf32>
    %dot_general3A_120 = tpu.matmul %get3A_117, %slice3A_118, %dot_general3A_119 {dimension_numbers = #tpu.dot_dimension_numbers<[1], [0], [0], [1], [0, 0, 1, 1], [], []>, transpose_lhs_hint = false} : vector<50x50xf32>, vector<50x128xf32>, vector<50x128xf32> -> vector<50x128xf32>
    %get3A_121 = arith.constant 2 : index
    %get3A_122 = arith.constant 0 : index
    %get3A_123 = arith.constant 0 : index
    %get3A_124 = vector.load %arg4[%get3A_121, %get3A_122, %get3A_123] : memref<64x50x50xf32, #tpu.memory_space<vmem>>, vector<1x50x50xf32>
    %get3A_125 = vector.shape_cast %get3A_124 : vector<1x50x50xf32> to vector<50x50xf32>
    %slice3A_126 = vector.extract_strided_slice %add3A_79 {offsets = [100, 0], sizes = [50, 128], strides = [1, 1]} : vector<3200x128xf32> to vector<50x128xf32>
    %dot_general3A_127 = arith.constant dense<0.000000e+00> : vector<50x128xf32>
    %dot_general3A_128 = tpu.matmul %get3A_125, %slice3A_126, %dot_general3A_127 {dimension_numbers = #tpu.dot_dimension_numbers<[1], [0], [0], [1], [0, 0, 1, 1], [], []>, transpose_lhs_hint = false} : vector<50x50xf32>, vector<50x128xf32>, vector<50x128xf32> -> vector<50x128xf32>
    %concatenate3A_129 = tpu.concatenate %dot_general3A_120, %dot_general3A_128 in 1 : vector<50x128xf32>, vector<50x128xf32> -> vector<50x256xf32>
    %get3A_130 = arith.constant 3 : index
    %get3A_131 = arith.constant 0 : index
    %get3A_132 = arith.constant 0 : index
    %get3A_133 = vector.load %arg3[%get3A_130, %get3A_131, %get3A_132] : memref<64x50x50xf32, #tpu.memory_space<vmem>>, vector<1x50x50xf32>
    %get3A_134 = vector.shape_cast %get3A_133 : vector<1x50x50xf32> to vector<50x50xf32>
    %slice3A_135 = vector.extract_strided_slice %add3A_69 {offsets = [150, 0], sizes = [50, 128], strides = [1, 1]} : vector<3200x128xf32> to vector<50x128xf32>
    %dot_general3A_136 = arith.constant dense<0.000000e+00> : vector<50x128xf32>
    %dot_general3A_137 = tpu.matmul %get3A_134, %slice3A_135, %dot_general3A_136 {dimension_numbers = #tpu.dot_dimension_numbers<[1], [0], [0], [1], [0, 0, 1, 1], [], []>, transpose_lhs_hint = false} : vector<50x50xf32>, vector<50x128xf32>, vector<50x128xf32> -> vector<50x128xf32>
    %get3A_138 = arith.constant 3 : index
    %get3A_139 = arith.constant 0 : index
    %get3A_140 = arith.constant 0 : index
    %get3A_141 = vector.load %arg4[%get3A_138, %get3A_139, %get3A_140] : memref<64x50x50xf32, #tpu.memory_space<vmem>>, vector<1x50x50xf32>
    %get3A_142 = vector.shape_cast %get3A_141 : vector<1x50x50xf32> to vector<50x50xf32>
    %slice3A_143 = vector.extract_strided_slice %add3A_79 {offsets = [150, 0], sizes = [50, 128], strides = [1, 1]} : vector<3200x128xf32> to vector<50x128xf32>
    %dot_general3A_144 = arith.constant dense<0.000000e+00> : vector<50x128xf32>
    %dot_general3A_145 = tpu.matmul %get3A_142, %slice3A_143, %dot_general3A_144 {dimension_numbers = #tpu.dot_dimension_numbers<[1], [0], [0], [1], [0, 0, 1, 1], [], []>, transpose_lhs_hint = false} : vector<50x50xf32>, vector<50x128xf32>, vector<50x128xf32> -> vector<50x128xf32>
    %concatenate3A_146 = tpu.concatenate %dot_general3A_137, %dot_general3A_145 in 1 : vector<50x128xf32>, vector<50x128xf32> -> vector<50x256xf32>
    %get3A_147 = arith.constant 4 : index
    %get3A_148 = arith.constant 0 : index
    %get3A_149 = arith.constant 0 : index
    %get3A_150 = vector.load %arg3[%get3A_147, %get3A_148, %get3A_149] : memref<64x50x50xf32, #tpu.memory_space<vmem>>, vector<1x50x50xf32>
    %get3A_151 = vector.shape_cast %get3A_150 : vector<1x50x50xf32> to vector<50x50xf32>
    %slice3A_152 = vector.extract_strided_slice %add3A_69 {offsets = [200, 0], sizes = [50, 128], strides = [1, 1]} : vector<3200x128xf32> to vector<50x128xf32>
    %dot_general3A_153 = arith.constant dense<0.000000e+00> : vector<50x128xf32>
    %dot_general3A_154 = tpu.matmul %get3A_151, %slice3A_152, %dot_general3A_153 {dimension_numbers = #tpu.dot_dimension_numbers<[1], [0], [0], [1], [0, 0, 1, 1], [], []>, transpose_lhs_hint = false} : vector<50x50xf32>, vector<50x128xf32>, vector<50x128xf32> -> vector<50x128xf32>
    %get3A_155 = arith.constant 4 : index
    %get3A_156 = arith.constant 0 : index
    %get3A_157 = arith.constant 0 : index
    %get3A_158 = vector.load %arg4[%get3A_155, %get3A_156, %get3A_157] : memref<64x50x50xf32, #tpu.memory_space<vmem>>, vector<1x50x50xf32>
    %get3A_159 = vector.shape_cast %get3A_158 : vector<1x50x50xf32> to vector<50x50xf32>
    %slice3A_160 = vector.extract_strided_slice %add3A_79 {offsets = [200, 0], sizes = [50, 128], strides = [1, 1]} : vector<3200x128xf32> to vector<50x128xf32>
    %dot_general3A_161 = arith.constant dense<0.000000e+00> : vector<50x128xf32>
    %dot_general3A_162 = tpu.matmul %get3A_159, %slice3A_160, %dot_general3A_161 {dimension_numbers = #tpu.dot_dimension_numbers<[1], [0], [0], [1], [0, 0, 1, 1], [], []>, transpose_lhs_hint = false} : vector<50x50xf32>, vector<50x128xf32>, vector<50x128xf32> -> vector<50x128xf32>
    %concatenate3A_163 = tpu.concatenate %dot_general3A_154, %dot_general3A_162 in 1 : vector<50x128xf32>, vector<50x128xf32> -> vector<50x256xf32>
    %get3A_164 = arith.constant 5 : index
    %get3A_165 = arith.constant 0 : index
    %get3A_166 = arith.constant 0 : index
    %get3A_167 = vector.load %arg3[%get3A_164, %get3A_165, %get3A_166] : memref<64x50x50xf32, #tpu.memory_space<vmem>>, vector<1x50x50xf32>
    %get3A_168 = vector.shape_cast %get3A_167 : vector<1x50x50xf32> to vector<50x50xf32>
    %slice3A_169 = vector.extract_strided_slice %add3A_69 {offsets = [250, 0], sizes = [50, 128], strides = [1, 1]} : vector<3200x128xf32> to vector<50x128xf32>
    %dot_general3A_170 = arith.constant dense<0.000000e+00> : vector<50x128xf32>
    %dot_general3A_171 = tpu.matmul %get3A_168, %slice3A_169, %dot_general3A_170 {dimension_numbers = #tpu.dot_dimension_numbers<[1], [0], [0], [1], [0, 0, 1, 1], [], []>, transpose_lhs_hint = false} : vector<50x50xf32>, vector<50x128xf32>, vector<50x128xf32> -> vector<50x128xf32>
    %get3A_172 = arith.constant 5 : index
    %get3A_173 = arith.constant 0 : index
    %get3A_174 = arith.constant 0 : index
    %get3A_175 = vector.load %arg4[%get3A_172, %get3A_173, %get3A_174] : memref<64x50x50xf32, #tpu.memory_space<vmem>>, vector<1x50x50xf32>
    %get3A_176 = vector.shape_cast %get3A_175 : vector<1x50x50xf32> to vector<50x50xf32>
    %slice3A_177 = vector.extract_strided_slice %add3A_79 {offsets = [250, 0], sizes = [50, 128], strides = [1, 1]} : vector<3200x128xf32> to vector<50x128xf32>
    %dot_general3A_178 = arith.constant dense<0.000000e+00> : vector<50x128xf32>
    %dot_general3A_179 = tpu.matmul %get3A_176, %slice3A_177, %dot_general3A_178 {dimension_numbers = #tpu.dot_dimension_numbers<[1], [0], [0], [1], [0, 0, 1, 1], [], []>, transpose_lhs_hint = false} : vector<50x50xf32>, vector<50x128xf32>, vector<50x128xf32> -> vector<50x128xf32>
    %concatenate3A_180 = tpu.concatenate %dot_general3A_171, %dot_general3A_179 in 1 : vector<50x128xf32>, vector<50x128xf32> -> vector<50x256xf32>
    %get3A_181 = arith.constant 6 : index
    %get3A_182 = arith.constant 0 : index
    %get3A_183 = arith.constant 0 : index
    %get3A_184 = vector.load %arg3[%get3A_181, %get3A_182, %get3A_183] : memref<64x50x50xf32, #tpu.memory_space<vmem>>, vector<1x50x50xf32>
    %get3A_185 = vector.shape_cast %get3A_184 : vector<1x50x50xf32> to vector<50x50xf32>
    %slice3A_186 = vector.extract_strided_slice %add3A_69 {offsets = [300, 0], sizes = [50, 128], strides = [1, 1]} : vector<3200x128xf32> to vector<50x128xf32>
    %dot_general3A_187 = arith.constant dense<0.000000e+00> : vector<50x128xf32>
    %dot_general3A_188 = tpu.matmul %get3A_185, %slice3A_186, %dot_general3A_187 {dimension_numbers = #tpu.dot_dimension_numbers<[1], [0], [0], [1], [0, 0, 1, 1], [], []>, transpose_lhs_hint = false} : vector<50x50xf32>, vector<50x128xf32>, vector<50x128xf32> -> vector<50x128xf32>
    %get3A_189 = arith.constant 6 : index
    %get3A_190 = arith.constant 0 : index
    %get3A_191 = arith.constant 0 : index
    %get3A_192 = vector.load %arg4[%get3A_189, %get3A_190, %get3A_191] : memref<64x50x50xf32, #tpu.memory_space<vmem>>, vector<1x50x50xf32>
    %get3A_193 = vector.shape_cast %get3A_192 : vector<1x50x50xf32> to vector<50x50xf32>
    %slice3A_194 = vector.extract_strided_slice %add3A_79 {offsets = [300, 0], sizes = [50, 128], strides = [1, 1]} : vector<3200x128xf32> to vector<50x128xf32>
    %dot_general3A_195 = arith.constant dense<0.000000e+00> : vector<50x128xf32>
    %dot_general3A_196 = tpu.matmul %get3A_193, %slice3A_194, %dot_general3A_195 {dimension_numbers = #tpu.dot_dimension_numbers<[1], [0], [0], [1], [0, 0, 1, 1], [], []>, transpose_lhs_hint = false} : vector<50x50xf32>, vector<50x128xf32>, vector<50x128xf32> -> vector<50x128xf32>
    %concatenate3A_197 = tpu.concatenate %dot_general3A_188, %dot_general3A_196 in 1 : vector<50x128xf32>, vector<50x128xf32> -> vector<50x256xf32>
    %get3A_198 = arith.constant 7 : index
    %get3A_199 = arith.constant 0 : index
    %get3A_200 = arith.constant 0 : index
    %get3A_201 = vector.load %arg3[%get3A_198, %get3A_199, %get3A_200] : memref<64x50x50xf32, #tpu.memory_space<vmem>>, vector<1x50x50xf32>
    %get3A_202 = vector.shape_cast %get3A_201 : vector<1x50x50xf32> to vector<50x50xf32>
    %slice3A_203 = vector.extract_strided_slice %add3A_69 {offsets = [350, 0], sizes = [50, 128], strides = [1, 1]} : vector<3200x128xf32> to vector<50x128xf32>
    %dot_general3A_204 = arith.constant dense<0.000000e+00> : vector<50x128xf32>
    %dot_general3A_205 = tpu.matmul %get3A_202, %slice3A_203, %dot_general3A_204 {dimension_numbers = #tpu.dot_dimension_numbers<[1], [0], [0], [1], [0, 0, 1, 1], [], []>, transpose_lhs_hint = false} : vector<50x50xf32>, vector<50x128xf32>, vector<50x128xf32> -> vector<50x128xf32>
    %get3A_206 = arith.constant 7 : index
    %get3A_207 = arith.constant 0 : index
    %get3A_208 = arith.constant 0 : index
    %get3A_209 = vector.load %arg4[%get3A_206, %get3A_207, %get3A_208] : memref<64x50x50xf32, #tpu.memory_space<vmem>>, vector<1x50x50xf32>
    %get3A_210 = vector.shape_cast %get3A_209 : vector<1x50x50xf32> to vector<50x50xf32>
    %slice3A_211 = vector.extract_strided_slice %add3A_79 {offsets = [350, 0], sizes = [50, 128], strides = [1, 1]} : vector<3200x128xf32> to vector<50x128xf32>
    %dot_general3A_212 = arith.constant dense<0.000000e+00> : vector<50x128xf32>
    %dot_general3A_213 = tpu.matmul %get3A_210, %slice3A_211, %dot_general3A_212 {dimension_numbers = #tpu.dot_dimension_numbers<[1], [0], [0], [1], [0, 0, 1, 1], [], []>, transpose_lhs_hint = false} : vector<50x50xf32>, vector<50x128xf32>, vector<50x128xf32> -> vector<50x128xf32>
    %concatenate3A_214 = tpu.concatenate %dot_general3A_205, %dot_general3A_213 in 1 : vector<50x128xf32>, vector<50x128xf32> -> vector<50x256xf32>
    %get3A_215 = arith.constant 8 : index
    %get3A_216 = arith.constant 0 : index
    %get3A_217 = arith.constant 0 : index
    %get3A_218 = vector.load %arg3[%get3A_215, %get3A_216, %get3A_217] : memref<64x50x50xf32, #tpu.memory_space<vmem>>, vector<1x50x50xf32>
    %get3A_219 = vector.shape_cast %get3A_218 : vector<1x50x50xf32> to vector<50x50xf32>
    %slice3A_220 = vector.extract_strided_slice %add3A_69 {offsets = [400, 0], sizes = [50, 128], strides = [1, 1]} : vector<3200x128xf32> to vector<50x128xf32>
    %dot_general3A_221 = arith.constant dense<0.000000e+00> : vector<50x128xf32>
    %dot_general3A_222 = tpu.matmul %get3A_219, %slice3A_220, %dot_general3A_221 {dimension_numbers = #tpu.dot_dimension_numbers<[1], [0], [0], [1], [0, 0, 1, 1], [], []>, transpose_lhs_hint = false} : vector<50x50xf32>, vector<50x128xf32>, vector<50x128xf32> -> vector<50x128xf32>
    %get3A_223 = arith.constant 8 : index
    %get3A_224 = arith.constant 0 : index
    %get3A_225 = arith.constant 0 : index
    %get3A_226 = vector.load %arg4[%get3A_223, %get3A_224, %get3A_225] : memref<64x50x50xf32, #tpu.memory_space<vmem>>, vector<1x50x50xf32>
    %get3A_227 = vector.shape_cast %get3A_226 : vector<1x50x50xf32> to vector<50x50xf32>
    %slice3A_228 = vector.extract_strided_slice %add3A_79 {offsets = [400, 0], sizes = [50, 128], strides = [1, 1]} : vector<3200x128xf32> to vector<50x128xf32>
    %dot_general3A_229 = arith.constant dense<0.000000e+00> : vector<50x128xf32>
    %dot_general3A_230 = tpu.matmul %get3A_227, %slice3A_228, %dot_general3A_229 {dimension_numbers = #tpu.dot_dimension_numbers<[1], [0], [0], [1], [0, 0, 1, 1], [], []>, transpose_lhs_hint = false} : vector<50x50xf32>, vector<50x128xf32>, vector<50x128xf32> -> vector<50x128xf32>
    %concatenate3A_231 = tpu.concatenate %dot_general3A_222, %dot_general3A_230 in 1 : vector<50x128xf32>, vector<50x128xf32> -> vector<50x256xf32>
    %get3A_232 = arith.constant 9 : index
    %get3A_233 = arith.constant 0 : index
    %get3A_234 = arith.constant 0 : index
    %get3A_235 = vector.load %arg3[%get3A_232, %get3A_233, %get3A_234] : memref<64x50x50xf32, #tpu.memory_space<vmem>>, vector<1x50x50xf32>
    %get3A_236 = vector.shape_cast %get3A_235 : vector<1x50x50xf32> to vector<50x50xf32>
    %slice3A_237 = vector.extract_strided_slice %add3A_69 {offsets = [450, 0], sizes = [50, 128], strides = [1, 1]} : vector<3200x128xf32> to vector<50x128xf32>
    %dot_general3A_238 = arith.constant dense<0.000000e+00> : vector<50x128xf32>
    %dot_general3A_239 = tpu.matmul %get3A_236, %slice3A_237, %dot_general3A_238 {dimension_numbers = #tpu.dot_dimension_numbers<[1], [0], [0], [1], [0, 0, 1, 1], [], []>, transpose_lhs_hint = false} : vector<50x50xf32>, vector<50x128xf32>, vector<50x128xf32> -> vector<50x128xf32>
    %get3A_240 = arith.constant 9 : index
    %get3A_241 = arith.constant 0 : index
    %get3A_242 = arith.constant 0 : index
    %get3A_243 = vector.load %arg4[%get3A_240, %get3A_241, %get3A_242] : memref<64x50x50xf32, #tpu.memory_space<vmem>>, vector<1x50x50xf32>
    %get3A_244 = vector.shape_cast %get3A_243 : vector<1x50x50xf32> to vector<50x50xf32>
    %slice3A_245 = vector.extract_strided_slice %add3A_79 {offsets = [450, 0], sizes = [50, 128], strides = [1, 1]} : vector<3200x128xf32> to vector<50x128xf32>
    %dot_general3A_246 = arith.constant dense<0.000000e+00> : vector<50x128xf32>
    %dot_general3A_247 = tpu.matmul %get3A_244, %slice3A_245, %dot_general3A_246 {dimension_numbers = #tpu.dot_dimension_numbers<[1], [0], [0], [1], [0, 0, 1, 1], [], []>, transpose_lhs_hint = false} : vector<50x50xf32>, vector<50x128xf32>, vector<50x128xf32> -> vector<50x128xf32>
    %concatenate3A_248 = tpu.concatenate %dot_general3A_239, %dot_general3A_247 in 1 : vector<50x128xf32>, vector<50x128xf32> -> vector<50x256xf32>
    %get3A_249 = arith.constant 10 : index
    %get3A_250 = arith.constant 0 : index
    %get3A_251 = arith.constant 0 : index
    %get3A_252 = vector.load %arg3[%get3A_249, %get3A_250, %get3A_251] : memref<64x50x50xf32, #tpu.memory_space<vmem>>, vector<1x50x50xf32>
    %get3A_253 = vector.shape_cast %get3A_252 : vector<1x50x50xf32> to vector<50x50xf32>
    %slice3A_254 = vector.extract_strided_slice %add3A_69 {offsets = [500, 0], sizes = [50, 128], strides = [1, 1]} : vector<3200x128xf32> to vector<50x128xf32>
    %dot_general3A_255 = arith.constant dense<0.000000e+00> : vector<50x128xf32>
    %dot_general3A_256 = tpu.matmul %get3A_253, %slice3A_254, %dot_general3A_255 {dimension_numbers = #tpu.dot_dimension_numbers<[1], [0], [0], [1], [0, 0, 1, 1], [], []>, transpose_lhs_hint = false} : vector<50x50xf32>, vector<50x128xf32>, vector<50x128xf32> -> vector<50x128xf32>
    %get3A_257 = arith.constant 10 : index
    %get3A_258 = arith.constant 0 : index
    %get3A_259 = arith.constant 0 : index
    %get3A_260 = vector.load %arg4[%get3A_257, %get3A_258, %get3A_259] : memref<64x50x50xf32, #tpu.memory_space<vmem>>, vector<1x50x50xf32>
    %get3A_261 = vector.shape_cast %get3A_260 : vector<1x50x50xf32> to vector<50x50xf32>
    %slice3A_262 = vector.extract_strided_slice %add3A_79 {offsets = [500, 0], sizes = [50, 128], strides = [1, 1]} : vector<3200x128xf32> to vector<50x128xf32>
    %dot_general3A_263 = arith.constant dense<0.000000e+00> : vector<50x128xf32>
    %dot_general3A_264 = tpu.matmul %get3A_261, %slice3A_262, %dot_general3A_263 {dimension_numbers = #tpu.dot_dimension_numbers<[1], [0], [0], [1], [0, 0, 1, 1], [], []>, transpose_lhs_hint = false} : vector<50x50xf32>, vector<50x128xf32>, vector<50x128xf32> -> vector<50x128xf32>
    %concatenate3A_265 = tpu.concatenate %dot_general3A_256, %dot_general3A_264 in 1 : vector<50x128xf32>, vector<50x128xf32> -> vector<50x256xf32>
    %get3A_266 = arith.constant 11 : index
    %get3A_267 = arith.constant 0 : index
    %get3A_268 = arith.constant 0 : index
    %get3A_269 = vector.load %arg3[%get3A_266, %get3A_267, %get3A_268] : memref<64x50x50xf32, #tpu.memory_space<vmem>>, vector<1x50x50xf32>
    %get3A_270 = vector.shape_cast %get3A_269 : vector<1x50x50xf32> to vector<50x50xf32>
    %slice3A_271 = vector.extract_strided_slice %add3A_69 {offsets = [550, 0], sizes = [50, 128], strides = [1, 1]} : vector<3200x128xf32> to vector<50x128xf32>
    %dot_general3A_272 = arith.constant dense<0.000000e+00> : vector<50x128xf32>
    %dot_general3A_273 = tpu.matmul %get3A_270, %slice3A_271, %dot_general3A_272 {dimension_numbers = #tpu.dot_dimension_numbers<[1], [0], [0], [1], [0, 0, 1, 1], [], []>, transpose_lhs_hint = false} : vector<50x50xf32>, vector<50x128xf32>, vector<50x128xf32> -> vector<50x128xf32>
    %get3A_274 = arith.constant 11 : index
    %get3A_275 = arith.constant 0 : index
    %get3A_276 = arith.constant 0 : index
    %get3A_277 = vector.load %arg4[%get3A_274, %get3A_275, %get3A_276] : memref<64x50x50xf32, #tpu.memory_space<vmem>>, vector<1x50x50xf32>
    %get3A_278 = vector.shape_cast %get3A_277 : vector<1x50x50xf32> to vector<50x50xf32>
    %slice3A_279 = vector.extract_strided_slice %add3A_79 {offsets = [550, 0], sizes = [50, 128], strides = [1, 1]} : vector<3200x128xf32> to vector<50x128xf32>
    %dot_general3A_280 = arith.constant dense<0.000000e+00> : vector<50x128xf32>
    %dot_general3A_281 = tpu.matmul %get3A_278, %slice3A_279, %dot_general3A_280 {dimension_numbers = #tpu.dot_dimension_numbers<[1], [0], [0], [1], [0, 0, 1, 1], [], []>, transpose_lhs_hint = false} : vector<50x50xf32>, vector<50x128xf32>, vector<50x128xf32> -> vector<50x128xf32>
    %concatenate3A_282 = tpu.concatenate %dot_general3A_273, %dot_general3A_281 in 1 : vector<50x128xf32>, vector<50x128xf32> -> vector<50x256xf32>
    %get3A_283 = arith.constant 12 : index
    %get3A_284 = arith.constant 0 : index
    %get3A_285 = arith.constant 0 : index
    %get3A_286 = vector.load %arg3[%get3A_283, %get3A_284, %get3A_285] : memref<64x50x50xf32, #tpu.memory_space<vmem>>, vector<1x50x50xf32>
    %get3A_287 = vector.shape_cast %get3A_286 : vector<1x50x50xf32> to vector<50x50xf32>
    %slice3A_288 = vector.extract_strided_slice %add3A_69 {offsets = [600, 0], sizes = [50, 128], strides = [1, 1]} : vector<3200x128xf32> to vector<50x128xf32>
    %dot_general3A_289 = arith.constant dense<0.000000e+00> : vector<50x128xf32>
    %dot_general3A_290 = tpu.matmul %get3A_287, %slice3A_288, %dot_general3A_289 {dimension_numbers = #tpu.dot_dimension_numbers<[1], [0], [0], [1], [0, 0, 1, 1], [], []>, transpose_lhs_hint = false} : vector<50x50xf32>, vector<50x128xf32>, vector<50x128xf32> -> vector<50x128xf32>
    %get3A_291 = arith.constant 12 : index
    %get3A_292 = arith.constant 0 : index
    %get3A_293 = arith.constant 0 : index
    %get3A_294 = vector.load %arg4[%get3A_291, %get3A_292, %get3A_293] : memref<64x50x50xf32, #tpu.memory_space<vmem>>, vector<1x50x50xf32>
    %get3A_295 = vector.shape_cast %get3A_294 : vector<1x50x50xf32> to vector<50x50xf32>
    %slice3A_296 = vector.extract_strided_slice %add3A_79 {offsets = [600, 0], sizes = [50, 128], strides = [1, 1]} : vector<3200x128xf32> to vector<50x128xf32>
    %dot_general3A_297 = arith.constant dense<0.000000e+00> : vector<50x128xf32>
    %dot_general3A_298 = tpu.matmul %get3A_295, %slice3A_296, %dot_general3A_297 {dimension_numbers = #tpu.dot_dimension_numbers<[1], [0], [0], [1], [0, 0, 1, 1], [], []>, transpose_lhs_hint = false} : vector<50x50xf32>, vector<50x128xf32>, vector<50x128xf32> -> vector<50x128xf32>
    %concatenate3A_299 = tpu.concatenate %dot_general3A_290, %dot_general3A_298 in 1 : vector<50x128xf32>, vector<50x128xf32> -> vector<50x256xf32>
    %get3A_300 = arith.constant 13 : index
    %get3A_301 = arith.constant 0 : index
    %get3A_302 = arith.constant 0 : index
    %get3A_303 = vector.load %arg3[%get3A_300, %get3A_301, %get3A_302] : memref<64x50x50xf32, #tpu.memory_space<vmem>>, vector<1x50x50xf32>
    %get3A_304 = vector.shape_cast %get3A_303 : vector<1x50x50xf32> to vector<50x50xf32>
    %slice3A_305 = vector.extract_strided_slice %add3A_69 {offsets = [650, 0], sizes = [50, 128], strides = [1, 1]} : vector<3200x128xf32> to vector<50x128xf32>
    %dot_general3A_306 = arith.constant dense<0.000000e+00> : vector<50x128xf32>
    %dot_general3A_307 = tpu.matmul %get3A_304, %slice3A_305, %dot_general3A_306 {dimension_numbers = #tpu.dot_dimension_numbers<[1], [0], [0], [1], [0, 0, 1, 1], [], []>, transpose_lhs_hint = false} : vector<50x50xf32>, vector<50x128xf32>, vector<50x128xf32> -> vector<50x128xf32>
    %get3A_308 = arith.constant 13 : index
    %get3A_309 = arith.constant 0 : index
    %get3A_310 = arith.constant 0 : index
    %get3A_311 = vector.load %arg4[%get3A_308, %get3A_309, %get3A_310] : memref<64x50x50xf32, #tpu.memory_space<vmem>>, vector<1x50x50xf32>
    %get3A_312 = vector.shape_cast %get3A_311 : vector<1x50x50xf32> to vector<50x50xf32>
    %slice3A_313 = vector.extract_strided_slice %add3A_79 {offsets = [650, 0], sizes = [50, 128], strides = [1, 1]} : vector<3200x128xf32> to vector<50x128xf32>
    %dot_general3A_314 = arith.constant dense<0.000000e+00> : vector<50x128xf32>
    %dot_general3A_315 = tpu.matmul %get3A_312, %slice3A_313, %dot_general3A_314 {dimension_numbers = #tpu.dot_dimension_numbers<[1], [0], [0], [1], [0, 0, 1, 1], [], []>, transpose_lhs_hint = false} : vector<50x50xf32>, vector<50x128xf32>, vector<50x128xf32> -> vector<50x128xf32>
    %concatenate3A_316 = tpu.concatenate %dot_general3A_307, %dot_general3A_315 in 1 : vector<50x128xf32>, vector<50x128xf32> -> vector<50x256xf32>
    %get3A_317 = arith.constant 14 : index
    %get3A_318 = arith.constant 0 : index
    %get3A_319 = arith.constant 0 : index
    %get3A_320 = vector.load %arg3[%get3A_317, %get3A_318, %get3A_319] : memref<64x50x50xf32, #tpu.memory_space<vmem>>, vector<1x50x50xf32>
    %get3A_321 = vector.shape_cast %get3A_320 : vector<1x50x50xf32> to vector<50x50xf32>
    %slice3A_322 = vector.extract_strided_slice %add3A_69 {offsets = [700, 0], sizes = [50, 128], strides = [1, 1]} : vector<3200x128xf32> to vector<50x128xf32>
    %dot_general3A_323 = arith.constant dense<0.000000e+00> : vector<50x128xf32>
    %dot_general3A_324 = tpu.matmul %get3A_321, %slice3A_322, %dot_general3A_323 {dimension_numbers = #tpu.dot_dimension_numbers<[1], [0], [0], [1], [0, 0, 1, 1], [], []>, transpose_lhs_hint = false} : vector<50x50xf32>, vector<50x128xf32>, vector<50x128xf32> -> vector<50x128xf32>
    %get3A_325 = arith.constant 14 : index
    %get3A_326 = arith.constant 0 : index
    %get3A_327 = arith.constant 0 : index
    %get3A_328 = vector.load %arg4[%get3A_325, %get3A_326, %get3A_327] : memref<64x50x50xf32, #tpu.memory_space<vmem>>, vector<1x50x50xf32>
    %get3A_329 = vector.shape_cast %get3A_328 : vector<1x50x50xf32> to vector<50x50xf32>
    %slice3A_330 = vector.extract_strided_slice %add3A_79 {offsets = [700, 0], sizes = [50, 128], strides = [1, 1]} : vector<3200x128xf32> to vector<50x128xf32>
    %dot_general3A_331 = arith.constant dense<0.000000e+00> : vector<50x128xf32>
    %dot_general3A_332 = tpu.matmul %get3A_329, %slice3A_330, %dot_general3A_331 {dimension_numbers = #tpu.dot_dimension_numbers<[1], [0], [0], [1], [0, 0, 1, 1], [], []>, transpose_lhs_hint = false} : vector<50x50xf32>, vector<50x128xf32>, vector<50x128xf32> -> vector<50x128xf32>
    %concatenate3A_333 = tpu.concatenate %dot_general3A_324, %dot_general3A_332 in 1 : vector<50x128xf32>, vector<50x128xf32> -> vector<50x256xf32>
    %get3A_334 = arith.constant 15 : index
    %get3A_335 = arith.constant 0 : index
    %get3A_336 = arith.constant 0 : index
    %get3A_337 = vector.load %arg3[%get3A_334, %get3A_335, %get3A_336] : memref<64x50x50xf32, #tpu.memory_space<vmem>>, vector<1x50x50xf32>
    %get3A_338 = vector.shape_cast %get3A_337 : vector<1x50x50xf32> to vector<50x50xf32>
    %slice3A_339 = vector.extract_strided_slice %add3A_69 {offsets = [750, 0], sizes = [50, 128], strides = [1, 1]} : vector<3200x128xf32> to vector<50x128xf32>
    %dot_general3A_340 = arith.constant dense<0.000000e+00> : vector<50x128xf32>
    %dot_general3A_341 = tpu.matmul %get3A_338, %slice3A_339, %dot_general3A_340 {dimension_numbers = #tpu.dot_dimension_numbers<[1], [0], [0], [1], [0, 0, 1, 1], [], []>, transpose_lhs_hint = false} : vector<50x50xf32>, vector<50x128xf32>, vector<50x128xf32> -> vector<50x128xf32>
    %get3A_342 = arith.constant 15 : index
    %get3A_343 = arith.constant 0 : index
    %get3A_344 = arith.constant 0 : index
    %get3A_345 = vector.load %arg4[%get3A_342, %get3A_343, %get3A_344] : memref<64x50x50xf32, #tpu.memory_space<vmem>>, vector<1x50x50xf32>
    %get3A_346 = vector.shape_cast %get3A_345 : vector<1x50x50xf32> to vector<50x50xf32>
    %slice3A_347 = vector.extract_strided_slice %add3A_79 {offsets = [750, 0], sizes = [50, 128], strides = [1, 1]} : vector<3200x128xf32> to vector<50x128xf32>
    %dot_general3A_348 = arith.constant dense<0.000000e+00> : vector<50x128xf32>
    %dot_general3A_349 = tpu.matmul %get3A_346, %slice3A_347, %dot_general3A_348 {dimension_numbers = #tpu.dot_dimension_numbers<[1], [0], [0], [1], [0, 0, 1, 1], [], []>, transpose_lhs_hint = false} : vector<50x50xf32>, vector<50x128xf32>, vector<50x128xf32> -> vector<50x128xf32>
    %concatenate3A_350 = tpu.concatenate %dot_general3A_341, %dot_general3A_349 in 1 : vector<50x128xf32>, vector<50x128xf32> -> vector<50x256xf32>
    %get3A_351 = arith.constant 16 : index
    %get3A_352 = arith.constant 0 : index
    %get3A_353 = arith.constant 0 : index
    %get3A_354 = vector.load %arg3[%get3A_351, %get3A_352, %get3A_353] : memref<64x50x50xf32, #tpu.memory_space<vmem>>, vector<1x50x50xf32>
    %get3A_355 = vector.shape_cast %get3A_354 : vector<1x50x50xf32> to vector<50x50xf32>
    %slice3A_356 = vector.extract_strided_slice %add3A_69 {offsets = [800, 0], sizes = [50, 128], strides = [1, 1]} : vector<3200x128xf32> to vector<50x128xf32>
    %dot_general3A_357 = arith.constant dense<0.000000e+00> : vector<50x128xf32>
    %dot_general3A_358 = tpu.matmul %get3A_355, %slice3A_356, %dot_general3A_357 {dimension_numbers = #tpu.dot_dimension_numbers<[1], [0], [0], [1], [0, 0, 1, 1], [], []>, transpose_lhs_hint = false} : vector<50x50xf32>, vector<50x128xf32>, vector<50x128xf32> -> vector<50x128xf32>
    %get3A_359 = arith.constant 16 : index
    %get3A_360 = arith.constant 0 : index
    %get3A_361 = arith.constant 0 : index
    %get3A_362 = vector.load %arg4[%get3A_359, %get3A_360, %get3A_361] : memref<64x50x50xf32, #tpu.memory_space<vmem>>, vector<1x50x50xf32>
    %get3A_363 = vector.shape_cast %get3A_362 : vector<1x50x50xf32> to vector<50x50xf32>
    %slice3A_364 = vector.extract_strided_slice %add3A_79 {offsets = [800, 0], sizes = [50, 128], strides = [1, 1]} : vector<3200x128xf32> to vector<50x128xf32>
    %dot_general3A_365 = arith.constant dense<0.000000e+00> : vector<50x128xf32>
    %dot_general3A_366 = tpu.matmul %get3A_363, %slice3A_364, %dot_general3A_365 {dimension_numbers = #tpu.dot_dimension_numbers<[1], [0], [0], [1], [0, 0, 1, 1], [], []>, transpose_lhs_hint = false} : vector<50x50xf32>, vector<50x128xf32>, vector<50x128xf32> -> vector<50x128xf32>
    %concatenate3A_367 = tpu.concatenate %dot_general3A_358, %dot_general3A_366 in 1 : vector<50x128xf32>, vector<50x128xf32> -> vector<50x256xf32>
    %get3A_368 = arith.constant 17 : index
    %get3A_369 = arith.constant 0 : index
    %get3A_370 = arith.constant 0 : index
    %get3A_371 = vector.load %arg3[%get3A_368, %get3A_369, %get3A_370] : memref<64x50x50xf32, #tpu.memory_space<vmem>>, vector<1x50x50xf32>
    %get3A_372 = vector.shape_cast %get3A_371 : vector<1x50x50xf32> to vector<50x50xf32>
    %slice3A_373 = vector.extract_strided_slice %add3A_69 {offsets = [850, 0], sizes = [50, 128], strides = [1, 1]} : vector<3200x128xf32> to vector<50x128xf32>
    %dot_general3A_374 = arith.constant dense<0.000000e+00> : vector<50x128xf32>
    %dot_general3A_375 = tpu.matmul %get3A_372, %slice3A_373, %dot_general3A_374 {dimension_numbers = #tpu.dot_dimension_numbers<[1], [0], [0], [1], [0, 0, 1, 1], [], []>, transpose_lhs_hint = false} : vector<50x50xf32>, vector<50x128xf32>, vector<50x128xf32> -> vector<50x128xf32>
    %get3A_376 = arith.constant 17 : index
    %get3A_377 = arith.constant 0 : index
    %get3A_378 = arith.constant 0 : index
    %get3A_379 = vector.load %arg4[%get3A_376, %get3A_377, %get3A_378] : memref<64x50x50xf32, #tpu.memory_space<vmem>>, vector<1x50x50xf32>
    %get3A_380 = vector.shape_cast %get3A_379 : vector<1x50x50xf32> to vector<50x50xf32>
    %slice3A_381 = vector.extract_strided_slice %add3A_79 {offsets = [850, 0], sizes = [50, 128], strides = [1, 1]} : vector<3200x128xf32> to vector<50x128xf32>
    %dot_general3A_382 = arith.constant dense<0.000000e+00> : vector<50x128xf32>
    %dot_general3A_383 = tpu.matmul %get3A_380, %slice3A_381, %dot_general3A_382 {dimension_numbers = #tpu.dot_dimension_numbers<[1], [0], [0], [1], [0, 0, 1, 1], [], []>, transpose_lhs_hint = false} : vector<50x50xf32>, vector<50x128xf32>, vector<50x128xf32> -> vector<50x128xf32>
    %concatenate3A_384 = tpu.concatenate %dot_general3A_375, %dot_general3A_383 in 1 : vector<50x128xf32>, vector<50x128xf32> -> vector<50x256xf32>
    %get3A_385 = arith.constant 18 : index
    %get3A_386 = arith.constant 0 : index
    %get3A_387 = arith.constant 0 : index
    %get3A_388 = vector.load %arg3[%get3A_385, %get3A_386, %get3A_387] : memref<64x50x50xf32, #tpu.memory_space<vmem>>, vector<1x50x50xf32>
    %get3A_389 = vector.shape_cast %get3A_388 : vector<1x50x50xf32> to vector<50x50xf32>
    %slice3A_390 = vector.extract_strided_slice %add3A_69 {offsets = [900, 0], sizes = [50, 128], strides = [1, 1]} : vector<3200x128xf32> to vector<50x128xf32>
    %dot_general3A_391 = arith.constant dense<0.000000e+00> : vector<50x128xf32>
    %dot_general3A_392 = tpu.matmul %get3A_389, %slice3A_390, %dot_general3A_391 {dimension_numbers = #tpu.dot_dimension_numbers<[1], [0], [0], [1], [0, 0, 1, 1], [], []>, transpose_lhs_hint = false} : vector<50x50xf32>, vector<50x128xf32>, vector<50x128xf32> -> vector<50x128xf32>
    %get3A_393 = arith.constant 18 : index
    %get3A_394 = arith.constant 0 : index
    %get3A_395 = arith.constant 0 : index
    %get3A_396 = vector.load %arg4[%get3A_393, %get3A_394, %get3A_395] : memref<64x50x50xf32, #tpu.memory_space<vmem>>, vector<1x50x50xf32>
    %get3A_397 = vector.shape_cast %get3A_396 : vector<1x50x50xf32> to vector<50x50xf32>
    %slice3A_398 = vector.extract_strided_slice %add3A_79 {offsets = [900, 0], sizes = [50, 128], strides = [1, 1]} : vector<3200x128xf32> to vector<50x128xf32>
    %dot_general3A_399 = arith.constant dense<0.000000e+00> : vector<50x128xf32>
    %dot_general3A_400 = tpu.matmul %get3A_397, %slice3A_398, %dot_general3A_399 {dimension_numbers = #tpu.dot_dimension_numbers<[1], [0], [0], [1], [0, 0, 1, 1], [], []>, transpose_lhs_hint = false} : vector<50x50xf32>, vector<50x128xf32>, vector<50x128xf32> -> vector<50x128xf32>
    %concatenate3A_401 = tpu.concatenate %dot_general3A_392, %dot_general3A_400 in 1 : vector<50x128xf32>, vector<50x128xf32> -> vector<50x256xf32>
    %get3A_402 = arith.constant 19 : index
    %get3A_403 = arith.constant 0 : index
    %get3A_404 = arith.constant 0 : index
    %get3A_405 = vector.load %arg3[%get3A_402, %get3A_403, %get3A_404] : memref<64x50x50xf32, #tpu.memory_space<vmem>>, vector<1x50x50xf32>
    %get3A_406 = vector.shape_cast %get3A_405 : vector<1x50x50xf32> to vector<50x50xf32>
    %slice3A_407 = vector.extract_strided_slice %add3A_69 {offsets = [950, 0], sizes = [50, 128], strides = [1, 1]} : vector<3200x128xf32> to vector<50x128xf32>
    %dot_general3A_408 = arith.constant dense<0.000000e+00> : vector<50x128xf32>
    %dot_general3A_409 = tpu.matmul %get3A_406, %slice3A_407, %dot_general3A_408 {dimension_numbers = #tpu.dot_dimension_numbers<[1], [0], [0], [1], [0, 0, 1, 1], [], []>, transpose_lhs_hint = false} : vector<50x50xf32>, vector<50x128xf32>, vector<50x128xf32> -> vector<50x128xf32>
    %get3A_410 = arith.constant 19 : index
    %get3A_411 = arith.constant 0 : index
    %get3A_412 = arith.constant 0 : index
    %get3A_413 = vector.load %arg4[%get3A_410, %get3A_411, %get3A_412] : memref<64x50x50xf32, #tpu.memory_space<vmem>>, vector<1x50x50xf32>
    %get3A_414 = vector.shape_cast %get3A_413 : vector<1x50x50xf32> to vector<50x50xf32>
    %slice3A_415 = vector.extract_strided_slice %add3A_79 {offsets = [950, 0], sizes = [50, 128], strides = [1, 1]} : vector<3200x128xf32> to vector<50x128xf32>
    %dot_general3A_416 = arith.constant dense<0.000000e+00> : vector<50x128xf32>
    %dot_general3A_417 = tpu.matmul %get3A_414, %slice3A_415, %dot_general3A_416 {dimension_numbers = #tpu.dot_dimension_numbers<[1], [0], [0], [1], [0, 0, 1, 1], [], []>, transpose_lhs_hint = false} : vector<50x50xf32>, vector<50x128xf32>, vector<50x128xf32> -> vector<50x128xf32>
    %concatenate3A_418 = tpu.concatenate %dot_general3A_409, %dot_general3A_417 in 1 : vector<50x128xf32>, vector<50x128xf32> -> vector<50x256xf32>
    %get3A_419 = arith.constant 20 : index
    %get3A_420 = arith.constant 0 : index
    %get3A_421 = arith.constant 0 : index
    %get3A_422 = vector.load %arg3[%get3A_419, %get3A_420, %get3A_421] : memref<64x50x50xf32, #tpu.memory_space<vmem>>, vector<1x50x50xf32>
    %get3A_423 = vector.shape_cast %get3A_422 : vector<1x50x50xf32> to vector<50x50xf32>
    %slice3A_424 = vector.extract_strided_slice %add3A_69 {offsets = [1000, 0], sizes = [50, 128], strides = [1, 1]} : vector<3200x128xf32> to vector<50x128xf32>
    %dot_general3A_425 = arith.constant dense<0.000000e+00> : vector<50x128xf32>
    %dot_general3A_426 = tpu.matmul %get3A_423, %slice3A_424, %dot_general3A_425 {dimension_numbers = #tpu.dot_dimension_numbers<[1], [0], [0], [1], [0, 0, 1, 1], [], []>, transpose_lhs_hint = false} : vector<50x50xf32>, vector<50x128xf32>, vector<50x128xf32> -> vector<50x128xf32>
    %get3A_427 = arith.constant 20 : index
    %get3A_428 = arith.constant 0 : index
    %get3A_429 = arith.constant 0 : index
    %get3A_430 = vector.load %arg4[%get3A_427, %get3A_428, %get3A_429] : memref<64x50x50xf32, #tpu.memory_space<vmem>>, vector<1x50x50xf32>
    %get3A_431 = vector.shape_cast %get3A_430 : vector<1x50x50xf32> to vector<50x50xf32>
    %slice3A_432 = vector.extract_strided_slice %add3A_79 {offsets = [1000, 0], sizes = [50, 128], strides = [1, 1]} : vector<3200x128xf32> to vector<50x128xf32>
    %dot_general3A_433 = arith.constant dense<0.000000e+00> : vector<50x128xf32>
    %dot_general3A_434 = tpu.matmul %get3A_431, %slice3A_432, %dot_general3A_433 {dimension_numbers = #tpu.dot_dimension_numbers<[1], [0], [0], [1], [0, 0, 1, 1], [], []>, transpose_lhs_hint = false} : vector<50x50xf32>, vector<50x128xf32>, vector<50x128xf32> -> vector<50x128xf32>
    %concatenate3A_435 = tpu.concatenate %dot_general3A_426, %dot_general3A_434 in 1 : vector<50x128xf32>, vector<50x128xf32> -> vector<50x256xf32>
    %get3A_436 = arith.constant 21 : index
    %get3A_437 = arith.constant 0 : index
    %get3A_438 = arith.constant 0 : index
    %get3A_439 = vector.load %arg3[%get3A_436, %get3A_437, %get3A_438] : memref<64x50x50xf32, #tpu.memory_space<vmem>>, vector<1x50x50xf32>
    %get3A_440 = vector.shape_cast %get3A_439 : vector<1x50x50xf32> to vector<50x50xf32>
    %slice3A_441 = vector.extract_strided_slice %add3A_69 {offsets = [1050, 0], sizes = [50, 128], strides = [1, 1]} : vector<3200x128xf32> to vector<50x128xf32>
    %dot_general3A_442 = arith.constant dense<0.000000e+00> : vector<50x128xf32>
    %dot_general3A_443 = tpu.matmul %get3A_440, %slice3A_441, %dot_general3A_442 {dimension_numbers = #tpu.dot_dimension_numbers<[1], [0], [0], [1], [0, 0, 1, 1], [], []>, transpose_lhs_hint = false} : vector<50x50xf32>, vector<50x128xf32>, vector<50x128xf32> -> vector<50x128xf32>
    %get3A_444 = arith.constant 21 : index
    %get3A_445 = arith.constant 0 : index
    %get3A_446 = arith.constant 0 : index
    %get3A_447 = vector.load %arg4[%get3A_444, %get3A_445, %get3A_446] : memref<64x50x50xf32, #tpu.memory_space<vmem>>, vector<1x50x50xf32>
    %get3A_448 = vector.shape_cast %get3A_447 : vector<1x50x50xf32> to vector<50x50xf32>
    %slice3A_449 = vector.extract_strided_slice %add3A_79 {offsets = [1050, 0], sizes = [50, 128], strides = [1, 1]} : vector<3200x128xf32> to vector<50x128xf32>
    %dot_general3A_450 = arith.constant dense<0.000000e+00> : vector<50x128xf32>
    %dot_general3A_451 = tpu.matmul %get3A_448, %slice3A_449, %dot_general3A_450 {dimension_numbers = #tpu.dot_dimension_numbers<[1], [0], [0], [1], [0, 0, 1, 1], [], []>, transpose_lhs_hint = false} : vector<50x50xf32>, vector<50x128xf32>, vector<50x128xf32> -> vector<50x128xf32>
    %concatenate3A_452 = tpu.concatenate %dot_general3A_443, %dot_general3A_451 in 1 : vector<50x128xf32>, vector<50x128xf32> -> vector<50x256xf32>
    %get3A_453 = arith.constant 22 : index
    %get3A_454 = arith.constant 0 : index
    %get3A_455 = arith.constant 0 : index
    %get3A_456 = vector.load %arg3[%get3A_453, %get3A_454, %get3A_455] : memref<64x50x50xf32, #tpu.memory_space<vmem>>, vector<1x50x50xf32>
    %get3A_457 = vector.shape_cast %get3A_456 : vector<1x50x50xf32> to vector<50x50xf32>
    %slice3A_458 = vector.extract_strided_slice %add3A_69 {offsets = [1100, 0], sizes = [50, 128], strides = [1, 1]} : vector<3200x128xf32> to vector<50x128xf32>
    %dot_general3A_459 = arith.constant dense<0.000000e+00> : vector<50x128xf32>
    %dot_general3A_460 = tpu.matmul %get3A_457, %slice3A_458, %dot_general3A_459 {dimension_numbers = #tpu.dot_dimension_numbers<[1], [0], [0], [1], [0, 0, 1, 1], [], []>, transpose_lhs_hint = false} : vector<50x50xf32>, vector<50x128xf32>, vector<50x128xf32> -> vector<50x128xf32>
    %get3A_461 = arith.constant 22 : index
    %get3A_462 = arith.constant 0 : index
    %get3A_463 = arith.constant 0 : index
    %get3A_464 = vector.load %arg4[%get3A_461, %get3A_462, %get3A_463] : memref<64x50x50xf32, #tpu.memory_space<vmem>>, vector<1x50x50xf32>
    %get3A_465 = vector.shape_cast %get3A_464 : vector<1x50x50xf32> to vector<50x50xf32>
    %slice3A_466 = vector.extract_strided_slice %add3A_79 {offsets = [1100, 0], sizes = [50, 128], strides = [1, 1]} : vector<3200x128xf32> to vector<50x128xf32>
    %dot_general3A_467 = arith.constant dense<0.000000e+00> : vector<50x128xf32>
    %dot_general3A_468 = tpu.matmul %get3A_465, %slice3A_466, %dot_general3A_467 {dimension_numbers = #tpu.dot_dimension_numbers<[1], [0], [0], [1], [0, 0, 1, 1], [], []>, transpose_lhs_hint = false} : vector<50x50xf32>, vector<50x128xf32>, vector<50x128xf32> -> vector<50x128xf32>
    %concatenate3A_469 = tpu.concatenate %dot_general3A_460, %dot_general3A_468 in 1 : vector<50x128xf32>, vector<50x128xf32> -> vector<50x256xf32>
    %get3A_470 = arith.constant 23 : index
    %get3A_471 = arith.constant 0 : index
    %get3A_472 = arith.constant 0 : index
    %get3A_473 = vector.load %arg3[%get3A_470, %get3A_471, %get3A_472] : memref<64x50x50xf32, #tpu.memory_space<vmem>>, vector<1x50x50xf32>
    %get3A_474 = vector.shape_cast %get3A_473 : vector<1x50x50xf32> to vector<50x50xf32>
    %slice3A_475 = vector.extract_strided_slice %add3A_69 {offsets = [1150, 0], sizes = [50, 128], strides = [1, 1]} : vector<3200x128xf32> to vector<50x128xf32>
    %dot_general3A_476 = arith.constant dense<0.000000e+00> : vector<50x128xf32>
    %dot_general3A_477 = tpu.matmul %get3A_474, %slice3A_475, %dot_general3A_476 {dimension_numbers = #tpu.dot_dimension_numbers<[1], [0], [0], [1], [0, 0, 1, 1], [], []>, transpose_lhs_hint = false} : vector<50x50xf32>, vector<50x128xf32>, vector<50x128xf32> -> vector<50x128xf32>
    %get3A_478 = arith.constant 23 : index
    %get3A_479 = arith.constant 0 : index
    %get3A_480 = arith.constant 0 : index
    %get3A_481 = vector.load %arg4[%get3A_478, %get3A_479, %get3A_480] : memref<64x50x50xf32, #tpu.memory_space<vmem>>, vector<1x50x50xf32>
    %get3A_482 = vector.shape_cast %get3A_481 : vector<1x50x50xf32> to vector<50x50xf32>
    %slice3A_483 = vector.extract_strided_slice %add3A_79 {offsets = [1150, 0], sizes = [50, 128], strides = [1, 1]} : vector<3200x128xf32> to vector<50x128xf32>
    %dot_general3A_484 = arith.constant dense<0.000000e+00> : vector<50x128xf32>
    %dot_general3A_485 = tpu.matmul %get3A_482, %slice3A_483, %dot_general3A_484 {dimension_numbers = #tpu.dot_dimension_numbers<[1], [0], [0], [1], [0, 0, 1, 1], [], []>, transpose_lhs_hint = false} : vector<50x50xf32>, vector<50x128xf32>, vector<50x128xf32> -> vector<50x128xf32>
    %concatenate3A_486 = tpu.concatenate %dot_general3A_477, %dot_general3A_485 in 1 : vector<50x128xf32>, vector<50x128xf32> -> vector<50x256xf32>
    %get3A_487 = arith.constant 24 : index
    %get3A_488 = arith.constant 0 : index
    %get3A_489 = arith.constant 0 : index
    %get3A_490 = vector.load %arg3[%get3A_487, %get3A_488, %get3A_489] : memref<64x50x50xf32, #tpu.memory_space<vmem>>, vector<1x50x50xf32>
    %get3A_491 = vector.shape_cast %get3A_490 : vector<1x50x50xf32> to vector<50x50xf32>
    %slice3A_492 = vector.extract_strided_slice %add3A_69 {offsets = [1200, 0], sizes = [50, 128], strides = [1, 1]} : vector<3200x128xf32> to vector<50x128xf32>
    %dot_general3A_493 = arith.constant dense<0.000000e+00> : vector<50x128xf32>
    %dot_general3A_494 = tpu.matmul %get3A_491, %slice3A_492, %dot_general3A_493 {dimension_numbers = #tpu.dot_dimension_numbers<[1], [0], [0], [1], [0, 0, 1, 1], [], []>, transpose_lhs_hint = false} : vector<50x50xf32>, vector<50x128xf32>, vector<50x128xf32> -> vector<50x128xf32>
    %get3A_495 = arith.constant 24 : index
    %get3A_496 = arith.constant 0 : index
    %get3A_497 = arith.constant 0 : index
    %get3A_498 = vector.load %arg4[%get3A_495, %get3A_496, %get3A_497] : memref<64x50x50xf32, #tpu.memory_space<vmem>>, vector<1x50x50xf32>
    %get3A_499 = vector.shape_cast %get3A_498 : vector<1x50x50xf32> to vector<50x50xf32>
    %slice3A_500 = vector.extract_strided_slice %add3A_79 {offsets = [1200, 0], sizes = [50, 128], strides = [1, 1]} : vector<3200x128xf32> to vector<50x128xf32>
    %dot_general3A_501 = arith.constant dense<0.000000e+00> : vector<50x128xf32>
    %dot_general3A_502 = tpu.matmul %get3A_499, %slice3A_500, %dot_general3A_501 {dimension_numbers = #tpu.dot_dimension_numbers<[1], [0], [0], [1], [0, 0, 1, 1], [], []>, transpose_lhs_hint = false} : vector<50x50xf32>, vector<50x128xf32>, vector<50x128xf32> -> vector<50x128xf32>
    %concatenate3A_503 = tpu.concatenate %dot_general3A_494, %dot_general3A_502 in 1 : vector<50x128xf32>, vector<50x128xf32> -> vector<50x256xf32>
    %get3A_504 = arith.constant 25 : index
    %get3A_505 = arith.constant 0 : index
    %get3A_506 = arith.constant 0 : index
    %get3A_507 = vector.load %arg3[%get3A_504, %get3A_505, %get3A_506] : memref<64x50x50xf32, #tpu.memory_space<vmem>>, vector<1x50x50xf32>
    %get3A_508 = vector.shape_cast %get3A_507 : vector<1x50x50xf32> to vector<50x50xf32>
    %slice3A_509 = vector.extract_strided_slice %add3A_69 {offsets = [1250, 0], sizes = [50, 128], strides = [1, 1]} : vector<3200x128xf32> to vector<50x128xf32>
    %dot_general3A_510 = arith.constant dense<0.000000e+00> : vector<50x128xf32>
    %dot_general3A_511 = tpu.matmul %get3A_508, %slice3A_509, %dot_general3A_510 {dimension_numbers = #tpu.dot_dimension_numbers<[1], [0], [0], [1], [0, 0, 1, 1], [], []>, transpose_lhs_hint = false} : vector<50x50xf32>, vector<50x128xf32>, vector<50x128xf32> -> vector<50x128xf32>
    %get3A_512 = arith.constant 25 : index
    %get3A_513 = arith.constant 0 : index
    %get3A_514 = arith.constant 0 : index
    %get3A_515 = vector.load %arg4[%get3A_512, %get3A_513, %get3A_514] : memref<64x50x50xf32, #tpu.memory_space<vmem>>, vector<1x50x50xf32>
    %get3A_516 = vector.shape_cast %get3A_515 : vector<1x50x50xf32> to vector<50x50xf32>
    %slice3A_517 = vector.extract_strided_slice %add3A_79 {offsets = [1250, 0], sizes = [50, 128], strides = [1, 1]} : vector<3200x128xf32> to vector<50x128xf32>
    %dot_general3A_518 = arith.constant dense<0.000000e+00> : vector<50x128xf32>
    %dot_general3A_519 = tpu.matmul %get3A_516, %slice3A_517, %dot_general3A_518 {dimension_numbers = #tpu.dot_dimension_numbers<[1], [0], [0], [1], [0, 0, 1, 1], [], []>, transpose_lhs_hint = false} : vector<50x50xf32>, vector<50x128xf32>, vector<50x128xf32> -> vector<50x128xf32>
    %concatenate3A_520 = tpu.concatenate %dot_general3A_511, %dot_general3A_519 in 1 : vector<50x128xf32>, vector<50x128xf32> -> vector<50x256xf32>
    %get3A_521 = arith.constant 26 : index
    %get3A_522 = arith.constant 0 : index
    %get3A_523 = arith.constant 0 : index
    %get3A_524 = vector.load %arg3[%get3A_521, %get3A_522, %get3A_523] : memref<64x50x50xf32, #tpu.memory_space<vmem>>, vector<1x50x50xf32>
    %get3A_525 = vector.shape_cast %get3A_524 : vector<1x50x50xf32> to vector<50x50xf32>
    %slice3A_526 = vector.extract_strided_slice %add3A_69 {offsets = [1300, 0], sizes = [50, 128], strides = [1, 1]} : vector<3200x128xf32> to vector<50x128xf32>
    %dot_general3A_527 = arith.constant dense<0.000000e+00> : vector<50x128xf32>
    %dot_general3A_528 = tpu.matmul %get3A_525, %slice3A_526, %dot_general3A_527 {dimension_numbers = #tpu.dot_dimension_numbers<[1], [0], [0], [1], [0, 0, 1, 1], [], []>, transpose_lhs_hint = false} : vector<50x50xf32>, vector<50x128xf32>, vector<50x128xf32> -> vector<50x128xf32>
    %get3A_529 = arith.constant 26 : index
    %get3A_530 = arith.constant 0 : index
    %get3A_531 = arith.constant 0 : index
    %get3A_532 = vector.load %arg4[%get3A_529, %get3A_530, %get3A_531] : memref<64x50x50xf32, #tpu.memory_space<vmem>>, vector<1x50x50xf32>
    %get3A_533 = vector.shape_cast %get3A_532 : vector<1x50x50xf32> to vector<50x50xf32>
    %slice3A_534 = vector.extract_strided_slice %add3A_79 {offsets = [1300, 0], sizes = [50, 128], strides = [1, 1]} : vector<3200x128xf32> to vector<50x128xf32>
    %dot_general3A_535 = arith.constant dense<0.000000e+00> : vector<50x128xf32>
    %dot_general3A_536 = tpu.matmul %get3A_533, %slice3A_534, %dot_general3A_535 {dimension_numbers = #tpu.dot_dimension_numbers<[1], [0], [0], [1], [0, 0, 1, 1], [], []>, transpose_lhs_hint = false} : vector<50x50xf32>, vector<50x128xf32>, vector<50x128xf32> -> vector<50x128xf32>
    %concatenate3A_537 = tpu.concatenate %dot_general3A_528, %dot_general3A_536 in 1 : vector<50x128xf32>, vector<50x128xf32> -> vector<50x256xf32>
    %get3A_538 = arith.constant 27 : index
    %get3A_539 = arith.constant 0 : index
    %get3A_540 = arith.constant 0 : index
    %get3A_541 = vector.load %arg3[%get3A_538, %get3A_539, %get3A_540] : memref<64x50x50xf32, #tpu.memory_space<vmem>>, vector<1x50x50xf32>
    %get3A_542 = vector.shape_cast %get3A_541 : vector<1x50x50xf32> to vector<50x50xf32>
    %slice3A_543 = vector.extract_strided_slice %add3A_69 {offsets = [1350, 0], sizes = [50, 128], strides = [1, 1]} : vector<3200x128xf32> to vector<50x128xf32>
    %dot_general3A_544 = arith.constant dense<0.000000e+00> : vector<50x128xf32>
    %dot_general3A_545 = tpu.matmul %get3A_542, %slice3A_543, %dot_general3A_544 {dimension_numbers = #tpu.dot_dimension_numbers<[1], [0], [0], [1], [0, 0, 1, 1], [], []>, transpose_lhs_hint = false} : vector<50x50xf32>, vector<50x128xf32>, vector<50x128xf32> -> vector<50x128xf32>
    %get3A_546 = arith.constant 27 : index
    %get3A_547 = arith.constant 0 : index
    %get3A_548 = arith.constant 0 : index
    %get3A_549 = vector.load %arg4[%get3A_546, %get3A_547, %get3A_548] : memref<64x50x50xf32, #tpu.memory_space<vmem>>, vector<1x50x50xf32>
    %get3A_550 = vector.shape_cast %get3A_549 : vector<1x50x50xf32> to vector<50x50xf32>
    %slice3A_551 = vector.extract_strided_slice %add3A_79 {offsets = [1350, 0], sizes = [50, 128], strides = [1, 1]} : vector<3200x128xf32> to vector<50x128xf32>
    %dot_general3A_552 = arith.constant dense<0.000000e+00> : vector<50x128xf32>
    %dot_general3A_553 = tpu.matmul %get3A_550, %slice3A_551, %dot_general3A_552 {dimension_numbers = #tpu.dot_dimension_numbers<[1], [0], [0], [1], [0, 0, 1, 1], [], []>, transpose_lhs_hint = false} : vector<50x50xf32>, vector<50x128xf32>, vector<50x128xf32> -> vector<50x128xf32>
    %concatenate3A_554 = tpu.concatenate %dot_general3A_545, %dot_general3A_553 in 1 : vector<50x128xf32>, vector<50x128xf32> -> vector<50x256xf32>
    %get3A_555 = arith.constant 28 : index
    %get3A_556 = arith.constant 0 : index
    %get3A_557 = arith.constant 0 : index
    %get3A_558 = vector.load %arg3[%get3A_555, %get3A_556, %get3A_557] : memref<64x50x50xf32, #tpu.memory_space<vmem>>, vector<1x50x50xf32>
    %get3A_559 = vector.shape_cast %get3A_558 : vector<1x50x50xf32> to vector<50x50xf32>
    %slice3A_560 = vector.extract_strided_slice %add3A_69 {offsets = [1400, 0], sizes = [50, 128], strides = [1, 1]} : vector<3200x128xf32> to vector<50x128xf32>
    %dot_general3A_561 = arith.constant dense<0.000000e+00> : vector<50x128xf32>
    %dot_general3A_562 = tpu.matmul %get3A_559, %slice3A_560, %dot_general3A_561 {dimension_numbers = #tpu.dot_dimension_numbers<[1], [0], [0], [1], [0, 0, 1, 1], [], []>, transpose_lhs_hint = false} : vector<50x50xf32>, vector<50x128xf32>, vector<50x128xf32> -> vector<50x128xf32>
    %get3A_563 = arith.constant 28 : index
    %get3A_564 = arith.constant 0 : index
    %get3A_565 = arith.constant 0 : index
    %get3A_566 = vector.load %arg4[%get3A_563, %get3A_564, %get3A_565] : memref<64x50x50xf32, #tpu.memory_space<vmem>>, vector<1x50x50xf32>
    %get3A_567 = vector.shape_cast %get3A_566 : vector<1x50x50xf32> to vector<50x50xf32>
    %slice3A_568 = vector.extract_strided_slice %add3A_79 {offsets = [1400, 0], sizes = [50, 128], strides = [1, 1]} : vector<3200x128xf32> to vector<50x128xf32>
    %dot_general3A_569 = arith.constant dense<0.000000e+00> : vector<50x128xf32>
    %dot_general3A_570 = tpu.matmul %get3A_567, %slice3A_568, %dot_general3A_569 {dimension_numbers = #tpu.dot_dimension_numbers<[1], [0], [0], [1], [0, 0, 1, 1], [], []>, transpose_lhs_hint = false} : vector<50x50xf32>, vector<50x128xf32>, vector<50x128xf32> -> vector<50x128xf32>
    %concatenate3A_571 = tpu.concatenate %dot_general3A_562, %dot_general3A_570 in 1 : vector<50x128xf32>, vector<50x128xf32> -> vector<50x256xf32>
    %get3A_572 = arith.constant 29 : index
    %get3A_573 = arith.constant 0 : index
    %get3A_574 = arith.constant 0 : index
    %get3A_575 = vector.load %arg3[%get3A_572, %get3A_573, %get3A_574] : memref<64x50x50xf32, #tpu.memory_space<vmem>>, vector<1x50x50xf32>
    %get3A_576 = vector.shape_cast %get3A_575 : vector<1x50x50xf32> to vector<50x50xf32>
    %slice3A_577 = vector.extract_strided_slice %add3A_69 {offsets = [1450, 0], sizes = [50, 128], strides = [1, 1]} : vector<3200x128xf32> to vector<50x128xf32>
    %dot_general3A_578 = arith.constant dense<0.000000e+00> : vector<50x128xf32>
    %dot_general3A_579 = tpu.matmul %get3A_576, %slice3A_577, %dot_general3A_578 {dimension_numbers = #tpu.dot_dimension_numbers<[1], [0], [0], [1], [0, 0, 1, 1], [], []>, transpose_lhs_hint = false} : vector<50x50xf32>, vector<50x128xf32>, vector<50x128xf32> -> vector<50x128xf32>
    %get3A_580 = arith.constant 29 : index
    %get3A_581 = arith.constant 0 : index
    %get3A_582 = arith.constant 0 : index
    %get3A_583 = vector.load %arg4[%get3A_580, %get3A_581, %get3A_582] : memref<64x50x50xf32, #tpu.memory_space<vmem>>, vector<1x50x50xf32>
    %get3A_584 = vector.shape_cast %get3A_583 : vector<1x50x50xf32> to vector<50x50xf32>
    %slice3A_585 = vector.extract_strided_slice %add3A_79 {offsets = [1450, 0], sizes = [50, 128], strides = [1, 1]} : vector<3200x128xf32> to vector<50x128xf32>
    %dot_general3A_586 = arith.constant dense<0.000000e+00> : vector<50x128xf32>
    %dot_general3A_587 = tpu.matmul %get3A_584, %slice3A_585, %dot_general3A_586 {dimension_numbers = #tpu.dot_dimension_numbers<[1], [0], [0], [1], [0, 0, 1, 1], [], []>, transpose_lhs_hint = false} : vector<50x50xf32>, vector<50x128xf32>, vector<50x128xf32> -> vector<50x128xf32>
    %concatenate3A_588 = tpu.concatenate %dot_general3A_579, %dot_general3A_587 in 1 : vector<50x128xf32>, vector<50x128xf32> -> vector<50x256xf32>
    %get3A_589 = arith.constant 30 : index
    %get3A_590 = arith.constant 0 : index
    %get3A_591 = arith.constant 0 : index
    %get3A_592 = vector.load %arg3[%get3A_589, %get3A_590, %get3A_591] : memref<64x50x50xf32, #tpu.memory_space<vmem>>, vector<1x50x50xf32>
    %get3A_593 = vector.shape_cast %get3A_592 : vector<1x50x50xf32> to vector<50x50xf32>
    %slice3A_594 = vector.extract_strided_slice %add3A_69 {offsets = [1500, 0], sizes = [50, 128], strides = [1, 1]} : vector<3200x128xf32> to vector<50x128xf32>
    %dot_general3A_595 = arith.constant dense<0.000000e+00> : vector<50x128xf32>
    %dot_general3A_596 = tpu.matmul %get3A_593, %slice3A_594, %dot_general3A_595 {dimension_numbers = #tpu.dot_dimension_numbers<[1], [0], [0], [1], [0, 0, 1, 1], [], []>, transpose_lhs_hint = false} : vector<50x50xf32>, vector<50x128xf32>, vector<50x128xf32> -> vector<50x128xf32>
    %get3A_597 = arith.constant 30 : index
    %get3A_598 = arith.constant 0 : index
    %get3A_599 = arith.constant 0 : index
    %get3A_600 = vector.load %arg4[%get3A_597, %get3A_598, %get3A_599] : memref<64x50x50xf32, #tpu.memory_space<vmem>>, vector<1x50x50xf32>
    %get3A_601 = vector.shape_cast %get3A_600 : vector<1x50x50xf32> to vector<50x50xf32>
    %slice3A_602 = vector.extract_strided_slice %add3A_79 {offsets = [1500, 0], sizes = [50, 128], strides = [1, 1]} : vector<3200x128xf32> to vector<50x128xf32>
    %dot_general3A_603 = arith.constant dense<0.000000e+00> : vector<50x128xf32>
    %dot_general3A_604 = tpu.matmul %get3A_601, %slice3A_602, %dot_general3A_603 {dimension_numbers = #tpu.dot_dimension_numbers<[1], [0], [0], [1], [0, 0, 1, 1], [], []>, transpose_lhs_hint = false} : vector<50x50xf32>, vector<50x128xf32>, vector<50x128xf32> -> vector<50x128xf32>
    %concatenate3A_605 = tpu.concatenate %dot_general3A_596, %dot_general3A_604 in 1 : vector<50x128xf32>, vector<50x128xf32> -> vector<50x256xf32>
    %get3A_606 = arith.constant 31 : index
    %get3A_607 = arith.constant 0 : index
    %get3A_608 = arith.constant 0 : index
    %get3A_609 = vector.load %arg3[%get3A_606, %get3A_607, %get3A_608] : memref<64x50x50xf32, #tpu.memory_space<vmem>>, vector<1x50x50xf32>
    %get3A_610 = vector.shape_cast %get3A_609 : vector<1x50x50xf32> to vector<50x50xf32>
    %slice3A_611 = vector.extract_strided_slice %add3A_69 {offsets = [1550, 0], sizes = [50, 128], strides = [1, 1]} : vector<3200x128xf32> to vector<50x128xf32>
    %dot_general3A_612 = arith.constant dense<0.000000e+00> : vector<50x128xf32>
    %dot_general3A_613 = tpu.matmul %get3A_610, %slice3A_611, %dot_general3A_612 {dimension_numbers = #tpu.dot_dimension_numbers<[1], [0], [0], [1], [0, 0, 1, 1], [], []>, transpose_lhs_hint = false} : vector<50x50xf32>, vector<50x128xf32>, vector<50x128xf32> -> vector<50x128xf32>
    %get3A_614 = arith.constant 31 : index
    %get3A_615 = arith.constant 0 : index
    %get3A_616 = arith.constant 0 : index
    %get3A_617 = vector.load %arg4[%get3A_614, %get3A_615, %get3A_616] : memref<64x50x50xf32, #tpu.memory_space<vmem>>, vector<1x50x50xf32>
    %get3A_618 = vector.shape_cast %get3A_617 : vector<1x50x50xf32> to vector<50x50xf32>
    %slice3A_619 = vector.extract_strided_slice %add3A_79 {offsets = [1550, 0], sizes = [50, 128], strides = [1, 1]} : vector<3200x128xf32> to vector<50x128xf32>
    %dot_general3A_620 = arith.constant dense<0.000000e+00> : vector<50x128xf32>
    %dot_general3A_621 = tpu.matmul %get3A_618, %slice3A_619, %dot_general3A_620 {dimension_numbers = #tpu.dot_dimension_numbers<[1], [0], [0], [1], [0, 0, 1, 1], [], []>, transpose_lhs_hint = false} : vector<50x50xf32>, vector<50x128xf32>, vector<50x128xf32> -> vector<50x128xf32>
    %concatenate3A_622 = tpu.concatenate %dot_general3A_613, %dot_general3A_621 in 1 : vector<50x128xf32>, vector<50x128xf32> -> vector<50x256xf32>
    %get3A_623 = arith.constant 32 : index
    %get3A_624 = arith.constant 0 : index
    %get3A_625 = arith.constant 0 : index
    %get3A_626 = vector.load %arg3[%get3A_623, %get3A_624, %get3A_625] : memref<64x50x50xf32, #tpu.memory_space<vmem>>, vector<1x50x50xf32>
    %get3A_627 = vector.shape_cast %get3A_626 : vector<1x50x50xf32> to vector<50x50xf32>
    %slice3A_628 = vector.extract_strided_slice %add3A_69 {offsets = [1600, 0], sizes = [50, 128], strides = [1, 1]} : vector<3200x128xf32> to vector<50x128xf32>
    %dot_general3A_629 = arith.constant dense<0.000000e+00> : vector<50x128xf32>
    %dot_general3A_630 = tpu.matmul %get3A_627, %slice3A_628, %dot_general3A_629 {dimension_numbers = #tpu.dot_dimension_numbers<[1], [0], [0], [1], [0, 0, 1, 1], [], []>, transpose_lhs_hint = false} : vector<50x50xf32>, vector<50x128xf32>, vector<50x128xf32> -> vector<50x128xf32>
    %get3A_631 = arith.constant 32 : index
    %get3A_632 = arith.constant 0 : index
    %get3A_633 = arith.constant 0 : index
    %get3A_634 = vector.load %arg4[%get3A_631, %get3A_632, %get3A_633] : memref<64x50x50xf32, #tpu.memory_space<vmem>>, vector<1x50x50xf32>
    %get3A_635 = vector.shape_cast %get3A_634 : vector<1x50x50xf32> to vector<50x50xf32>
    %slice3A_636 = vector.extract_strided_slice %add3A_79 {offsets = [1600, 0], sizes = [50, 128], strides = [1, 1]} : vector<3200x128xf32> to vector<50x128xf32>
    %dot_general3A_637 = arith.constant dense<0.000000e+00> : vector<50x128xf32>
    %dot_general3A_638 = tpu.matmul %get3A_635, %slice3A_636, %dot_general3A_637 {dimension_numbers = #tpu.dot_dimension_numbers<[1], [0], [0], [1], [0, 0, 1, 1], [], []>, transpose_lhs_hint = false} : vector<50x50xf32>, vector<50x128xf32>, vector<50x128xf32> -> vector<50x128xf32>
    %concatenate3A_639 = tpu.concatenate %dot_general3A_630, %dot_general3A_638 in 1 : vector<50x128xf32>, vector<50x128xf32> -> vector<50x256xf32>
    %get3A_640 = arith.constant 33 : index
    %get3A_641 = arith.constant 0 : index
    %get3A_642 = arith.constant 0 : index
    %get3A_643 = vector.load %arg3[%get3A_640, %get3A_641, %get3A_642] : memref<64x50x50xf32, #tpu.memory_space<vmem>>, vector<1x50x50xf32>
    %get3A_644 = vector.shape_cast %get3A_643 : vector<1x50x50xf32> to vector<50x50xf32>
    %slice3A_645 = vector.extract_strided_slice %add3A_69 {offsets = [1650, 0], sizes = [50, 128], strides = [1, 1]} : vector<3200x128xf32> to vector<50x128xf32>
    %dot_general3A_646 = arith.constant dense<0.000000e+00> : vector<50x128xf32>
    %dot_general3A_647 = tpu.matmul %get3A_644, %slice3A_645, %dot_general3A_646 {dimension_numbers = #tpu.dot_dimension_numbers<[1], [0], [0], [1], [0, 0, 1, 1], [], []>, transpose_lhs_hint = false} : vector<50x50xf32>, vector<50x128xf32>, vector<50x128xf32> -> vector<50x128xf32>
    %get3A_648 = arith.constant 33 : index
    %get3A_649 = arith.constant 0 : index
    %get3A_650 = arith.constant 0 : index
    %get3A_651 = vector.load %arg4[%get3A_648, %get3A_649, %get3A_650] : memref<64x50x50xf32, #tpu.memory_space<vmem>>, vector<1x50x50xf32>
    %get3A_652 = vector.shape_cast %get3A_651 : vector<1x50x50xf32> to vector<50x50xf32>
    %slice3A_653 = vector.extract_strided_slice %add3A_79 {offsets = [1650, 0], sizes = [50, 128], strides = [1, 1]} : vector<3200x128xf32> to vector<50x128xf32>
    %dot_general3A_654 = arith.constant dense<0.000000e+00> : vector<50x128xf32>
    %dot_general3A_655 = tpu.matmul %get3A_652, %slice3A_653, %dot_general3A_654 {dimension_numbers = #tpu.dot_dimension_numbers<[1], [0], [0], [1], [0, 0, 1, 1], [], []>, transpose_lhs_hint = false} : vector<50x50xf32>, vector<50x128xf32>, vector<50x128xf32> -> vector<50x128xf32>
    %concatenate3A_656 = tpu.concatenate %dot_general3A_647, %dot_general3A_655 in 1 : vector<50x128xf32>, vector<50x128xf32> -> vector<50x256xf32>
    %get3A_657 = arith.constant 34 : index
    %get3A_658 = arith.constant 0 : index
    %get3A_659 = arith.constant 0 : index
    %get3A_660 = vector.load %arg3[%get3A_657, %get3A_658, %get3A_659] : memref<64x50x50xf32, #tpu.memory_space<vmem>>, vector<1x50x50xf32>
    %get3A_661 = vector.shape_cast %get3A_660 : vector<1x50x50xf32> to vector<50x50xf32>
    %slice3A_662 = vector.extract_strided_slice %add3A_69 {offsets = [1700, 0], sizes = [50, 128], strides = [1, 1]} : vector<3200x128xf32> to vector<50x128xf32>
    %dot_general3A_663 = arith.constant dense<0.000000e+00> : vector<50x128xf32>
    %dot_general3A_664 = tpu.matmul %get3A_661, %slice3A_662, %dot_general3A_663 {dimension_numbers = #tpu.dot_dimension_numbers<[1], [0], [0], [1], [0, 0, 1, 1], [], []>, transpose_lhs_hint = false} : vector<50x50xf32>, vector<50x128xf32>, vector<50x128xf32> -> vector<50x128xf32>
    %get3A_665 = arith.constant 34 : index
    %get3A_666 = arith.constant 0 : index
    %get3A_667 = arith.constant 0 : index
    %get3A_668 = vector.load %arg4[%get3A_665, %get3A_666, %get3A_667] : memref<64x50x50xf32, #tpu.memory_space<vmem>>, vector<1x50x50xf32>
    %get3A_669 = vector.shape_cast %get3A_668 : vector<1x50x50xf32> to vector<50x50xf32>
    %slice3A_670 = vector.extract_strided_slice %add3A_79 {offsets = [1700, 0], sizes = [50, 128], strides = [1, 1]} : vector<3200x128xf32> to vector<50x128xf32>
    %dot_general3A_671 = arith.constant dense<0.000000e+00> : vector<50x128xf32>
    %dot_general3A_672 = tpu.matmul %get3A_669, %slice3A_670, %dot_general3A_671 {dimension_numbers = #tpu.dot_dimension_numbers<[1], [0], [0], [1], [0, 0, 1, 1], [], []>, transpose_lhs_hint = false} : vector<50x50xf32>, vector<50x128xf32>, vector<50x128xf32> -> vector<50x128xf32>
    %concatenate3A_673 = tpu.concatenate %dot_general3A_664, %dot_general3A_672 in 1 : vector<50x128xf32>, vector<50x128xf32> -> vector<50x256xf32>
    %get3A_674 = arith.constant 35 : index
    %get3A_675 = arith.constant 0 : index
    %get3A_676 = arith.constant 0 : index
    %get3A_677 = vector.load %arg3[%get3A_674, %get3A_675, %get3A_676] : memref<64x50x50xf32, #tpu.memory_space<vmem>>, vector<1x50x50xf32>
    %get3A_678 = vector.shape_cast %get3A_677 : vector<1x50x50xf32> to vector<50x50xf32>
    %slice3A_679 = vector.extract_strided_slice %add3A_69 {offsets = [1750, 0], sizes = [50, 128], strides = [1, 1]} : vector<3200x128xf32> to vector<50x128xf32>
    %dot_general3A_680 = arith.constant dense<0.000000e+00> : vector<50x128xf32>
    %dot_general3A_681 = tpu.matmul %get3A_678, %slice3A_679, %dot_general3A_680 {dimension_numbers = #tpu.dot_dimension_numbers<[1], [0], [0], [1], [0, 0, 1, 1], [], []>, transpose_lhs_hint = false} : vector<50x50xf32>, vector<50x128xf32>, vector<50x128xf32> -> vector<50x128xf32>
    %get3A_682 = arith.constant 35 : index
    %get3A_683 = arith.constant 0 : index
    %get3A_684 = arith.constant 0 : index
    %get3A_685 = vector.load %arg4[%get3A_682, %get3A_683, %get3A_684] : memref<64x50x50xf32, #tpu.memory_space<vmem>>, vector<1x50x50xf32>
    %get3A_686 = vector.shape_cast %get3A_685 : vector<1x50x50xf32> to vector<50x50xf32>
    %slice3A_687 = vector.extract_strided_slice %add3A_79 {offsets = [1750, 0], sizes = [50, 128], strides = [1, 1]} : vector<3200x128xf32> to vector<50x128xf32>
    %dot_general3A_688 = arith.constant dense<0.000000e+00> : vector<50x128xf32>
    %dot_general3A_689 = tpu.matmul %get3A_686, %slice3A_687, %dot_general3A_688 {dimension_numbers = #tpu.dot_dimension_numbers<[1], [0], [0], [1], [0, 0, 1, 1], [], []>, transpose_lhs_hint = false} : vector<50x50xf32>, vector<50x128xf32>, vector<50x128xf32> -> vector<50x128xf32>
    %concatenate3A_690 = tpu.concatenate %dot_general3A_681, %dot_general3A_689 in 1 : vector<50x128xf32>, vector<50x128xf32> -> vector<50x256xf32>
    %get3A_691 = arith.constant 36 : index
    %get3A_692 = arith.constant 0 : index
    %get3A_693 = arith.constant 0 : index
    %get3A_694 = vector.load %arg3[%get3A_691, %get3A_692, %get3A_693] : memref<64x50x50xf32, #tpu.memory_space<vmem>>, vector<1x50x50xf32>
    %get3A_695 = vector.shape_cast %get3A_694 : vector<1x50x50xf32> to vector<50x50xf32>
    %slice3A_696 = vector.extract_strided_slice %add3A_69 {offsets = [1800, 0], sizes = [50, 128], strides = [1, 1]} : vector<3200x128xf32> to vector<50x128xf32>
    %dot_general3A_697 = arith.constant dense<0.000000e+00> : vector<50x128xf32>
    %dot_general3A_698 = tpu.matmul %get3A_695, %slice3A_696, %dot_general3A_697 {dimension_numbers = #tpu.dot_dimension_numbers<[1], [0], [0], [1], [0, 0, 1, 1], [], []>, transpose_lhs_hint = false} : vector<50x50xf32>, vector<50x128xf32>, vector<50x128xf32> -> vector<50x128xf32>
    %get3A_699 = arith.constant 36 : index
    %get3A_700 = arith.constant 0 : index
    %get3A_701 = arith.constant 0 : index
    %get3A_702 = vector.load %arg4[%get3A_699, %get3A_700, %get3A_701] : memref<64x50x50xf32, #tpu.memory_space<vmem>>, vector<1x50x50xf32>
    %get3A_703 = vector.shape_cast %get3A_702 : vector<1x50x50xf32> to vector<50x50xf32>
    %slice3A_704 = vector.extract_strided_slice %add3A_79 {offsets = [1800, 0], sizes = [50, 128], strides = [1, 1]} : vector<3200x128xf32> to vector<50x128xf32>
    %dot_general3A_705 = arith.constant dense<0.000000e+00> : vector<50x128xf32>
    %dot_general3A_706 = tpu.matmul %get3A_703, %slice3A_704, %dot_general3A_705 {dimension_numbers = #tpu.dot_dimension_numbers<[1], [0], [0], [1], [0, 0, 1, 1], [], []>, transpose_lhs_hint = false} : vector<50x50xf32>, vector<50x128xf32>, vector<50x128xf32> -> vector<50x128xf32>
    %concatenate3A_707 = tpu.concatenate %dot_general3A_698, %dot_general3A_706 in 1 : vector<50x128xf32>, vector<50x128xf32> -> vector<50x256xf32>
    %get3A_708 = arith.constant 37 : index
    %get3A_709 = arith.constant 0 : index
    %get3A_710 = arith.constant 0 : index
    %get3A_711 = vector.load %arg3[%get3A_708, %get3A_709, %get3A_710] : memref<64x50x50xf32, #tpu.memory_space<vmem>>, vector<1x50x50xf32>
    %get3A_712 = vector.shape_cast %get3A_711 : vector<1x50x50xf32> to vector<50x50xf32>
    %slice3A_713 = vector.extract_strided_slice %add3A_69 {offsets = [1850, 0], sizes = [50, 128], strides = [1, 1]} : vector<3200x128xf32> to vector<50x128xf32>
    %dot_general3A_714 = arith.constant dense<0.000000e+00> : vector<50x128xf32>
    %dot_general3A_715 = tpu.matmul %get3A_712, %slice3A_713, %dot_general3A_714 {dimension_numbers = #tpu.dot_dimension_numbers<[1], [0], [0], [1], [0, 0, 1, 1], [], []>, transpose_lhs_hint = false} : vector<50x50xf32>, vector<50x128xf32>, vector<50x128xf32> -> vector<50x128xf32>
    %get3A_716 = arith.constant 37 : index
    %get3A_717 = arith.constant 0 : index
    %get3A_718 = arith.constant 0 : index
    %get3A_719 = vector.load %arg4[%get3A_716, %get3A_717, %get3A_718] : memref<64x50x50xf32, #tpu.memory_space<vmem>>, vector<1x50x50xf32>
    %get3A_720 = vector.shape_cast %get3A_719 : vector<1x50x50xf32> to vector<50x50xf32>
    %slice3A_721 = vector.extract_strided_slice %add3A_79 {offsets = [1850, 0], sizes = [50, 128], strides = [1, 1]} : vector<3200x128xf32> to vector<50x128xf32>
    %dot_general3A_722 = arith.constant dense<0.000000e+00> : vector<50x128xf32>
    %dot_general3A_723 = tpu.matmul %get3A_720, %slice3A_721, %dot_general3A_722 {dimension_numbers = #tpu.dot_dimension_numbers<[1], [0], [0], [1], [0, 0, 1, 1], [], []>, transpose_lhs_hint = false} : vector<50x50xf32>, vector<50x128xf32>, vector<50x128xf32> -> vector<50x128xf32>
    %concatenate3A_724 = tpu.concatenate %dot_general3A_715, %dot_general3A_723 in 1 : vector<50x128xf32>, vector<50x128xf32> -> vector<50x256xf32>
    %get3A_725 = arith.constant 38 : index
    %get3A_726 = arith.constant 0 : index
    %get3A_727 = arith.constant 0 : index
    %get3A_728 = vector.load %arg3[%get3A_725, %get3A_726, %get3A_727] : memref<64x50x50xf32, #tpu.memory_space<vmem>>, vector<1x50x50xf32>
    %get3A_729 = vector.shape_cast %get3A_728 : vector<1x50x50xf32> to vector<50x50xf32>
    %slice3A_730 = vector.extract_strided_slice %add3A_69 {offsets = [1900, 0], sizes = [50, 128], strides = [1, 1]} : vector<3200x128xf32> to vector<50x128xf32>
    %dot_general3A_731 = arith.constant dense<0.000000e+00> : vector<50x128xf32>
    %dot_general3A_732 = tpu.matmul %get3A_729, %slice3A_730, %dot_general3A_731 {dimension_numbers = #tpu.dot_dimension_numbers<[1], [0], [0], [1], [0, 0, 1, 1], [], []>, transpose_lhs_hint = false} : vector<50x50xf32>, vector<50x128xf32>, vector<50x128xf32> -> vector<50x128xf32>
    %get3A_733 = arith.constant 38 : index
    %get3A_734 = arith.constant 0 : index
    %get3A_735 = arith.constant 0 : index
    %get3A_736 = vector.load %arg4[%get3A_733, %get3A_734, %get3A_735] : memref<64x50x50xf32, #tpu.memory_space<vmem>>, vector<1x50x50xf32>
    %get3A_737 = vector.shape_cast %get3A_736 : vector<1x50x50xf32> to vector<50x50xf32>
    %slice3A_738 = vector.extract_strided_slice %add3A_79 {offsets = [1900, 0], sizes = [50, 128], strides = [1, 1]} : vector<3200x128xf32> to vector<50x128xf32>
    %dot_general3A_739 = arith.constant dense<0.000000e+00> : vector<50x128xf32>
    %dot_general3A_740 = tpu.matmul %get3A_737, %slice3A_738, %dot_general3A_739 {dimension_numbers = #tpu.dot_dimension_numbers<[1], [0], [0], [1], [0, 0, 1, 1], [], []>, transpose_lhs_hint = false} : vector<50x50xf32>, vector<50x128xf32>, vector<50x128xf32> -> vector<50x128xf32>
    %concatenate3A_741 = tpu.concatenate %dot_general3A_732, %dot_general3A_740 in 1 : vector<50x128xf32>, vector<50x128xf32> -> vector<50x256xf32>
    %get3A_742 = arith.constant 39 : index
    %get3A_743 = arith.constant 0 : index
    %get3A_744 = arith.constant 0 : index
    %get3A_745 = vector.load %arg3[%get3A_742, %get3A_743, %get3A_744] : memref<64x50x50xf32, #tpu.memory_space<vmem>>, vector<1x50x50xf32>
    %get3A_746 = vector.shape_cast %get3A_745 : vector<1x50x50xf32> to vector<50x50xf32>
    %slice3A_747 = vector.extract_strided_slice %add3A_69 {offsets = [1950, 0], sizes = [50, 128], strides = [1, 1]} : vector<3200x128xf32> to vector<50x128xf32>
    %dot_general3A_748 = arith.constant dense<0.000000e+00> : vector<50x128xf32>
    %dot_general3A_749 = tpu.matmul %get3A_746, %slice3A_747, %dot_general3A_748 {dimension_numbers = #tpu.dot_dimension_numbers<[1], [0], [0], [1], [0, 0, 1, 1], [], []>, transpose_lhs_hint = false} : vector<50x50xf32>, vector<50x128xf32>, vector<50x128xf32> -> vector<50x128xf32>
    %get3A_750 = arith.constant 39 : index
    %get3A_751 = arith.constant 0 : index
    %get3A_752 = arith.constant 0 : index
    %get3A_753 = vector.load %arg4[%get3A_750, %get3A_751, %get3A_752] : memref<64x50x50xf32, #tpu.memory_space<vmem>>, vector<1x50x50xf32>
    %get3A_754 = vector.shape_cast %get3A_753 : vector<1x50x50xf32> to vector<50x50xf32>
    %slice3A_755 = vector.extract_strided_slice %add3A_79 {offsets = [1950, 0], sizes = [50, 128], strides = [1, 1]} : vector<3200x128xf32> to vector<50x128xf32>
    %dot_general3A_756 = arith.constant dense<0.000000e+00> : vector<50x128xf32>
    %dot_general3A_757 = tpu.matmul %get3A_754, %slice3A_755, %dot_general3A_756 {dimension_numbers = #tpu.dot_dimension_numbers<[1], [0], [0], [1], [0, 0, 1, 1], [], []>, transpose_lhs_hint = false} : vector<50x50xf32>, vector<50x128xf32>, vector<50x128xf32> -> vector<50x128xf32>
    %concatenate3A_758 = tpu.concatenate %dot_general3A_749, %dot_general3A_757 in 1 : vector<50x128xf32>, vector<50x128xf32> -> vector<50x256xf32>
    %get3A_759 = arith.constant 40 : index
    %get3A_760 = arith.constant 0 : index
    %get3A_761 = arith.constant 0 : index
    %get3A_762 = vector.load %arg3[%get3A_759, %get3A_760, %get3A_761] : memref<64x50x50xf32, #tpu.memory_space<vmem>>, vector<1x50x50xf32>
    %get3A_763 = vector.shape_cast %get3A_762 : vector<1x50x50xf32> to vector<50x50xf32>
    %slice3A_764 = vector.extract_strided_slice %add3A_69 {offsets = [2000, 0], sizes = [50, 128], strides = [1, 1]} : vector<3200x128xf32> to vector<50x128xf32>
    %dot_general3A_765 = arith.constant dense<0.000000e+00> : vector<50x128xf32>
    %dot_general3A_766 = tpu.matmul %get3A_763, %slice3A_764, %dot_general3A_765 {dimension_numbers = #tpu.dot_dimension_numbers<[1], [0], [0], [1], [0, 0, 1, 1], [], []>, transpose_lhs_hint = false} : vector<50x50xf32>, vector<50x128xf32>, vector<50x128xf32> -> vector<50x128xf32>
    %get3A_767 = arith.constant 40 : index
    %get3A_768 = arith.constant 0 : index
    %get3A_769 = arith.constant 0 : index
    %get3A_770 = vector.load %arg4[%get3A_767, %get3A_768, %get3A_769] : memref<64x50x50xf32, #tpu.memory_space<vmem>>, vector<1x50x50xf32>
    %get3A_771 = vector.shape_cast %get3A_770 : vector<1x50x50xf32> to vector<50x50xf32>
    %slice3A_772 = vector.extract_strided_slice %add3A_79 {offsets = [2000, 0], sizes = [50, 128], strides = [1, 1]} : vector<3200x128xf32> to vector<50x128xf32>
    %dot_general3A_773 = arith.constant dense<0.000000e+00> : vector<50x128xf32>
    %dot_general3A_774 = tpu.matmul %get3A_771, %slice3A_772, %dot_general3A_773 {dimension_numbers = #tpu.dot_dimension_numbers<[1], [0], [0], [1], [0, 0, 1, 1], [], []>, transpose_lhs_hint = false} : vector<50x50xf32>, vector<50x128xf32>, vector<50x128xf32> -> vector<50x128xf32>
    %concatenate3A_775 = tpu.concatenate %dot_general3A_766, %dot_general3A_774 in 1 : vector<50x128xf32>, vector<50x128xf32> -> vector<50x256xf32>
    %get3A_776 = arith.constant 41 : index
    %get3A_777 = arith.constant 0 : index
    %get3A_778 = arith.constant 0 : index
    %get3A_779 = vector.load %arg3[%get3A_776, %get3A_777, %get3A_778] : memref<64x50x50xf32, #tpu.memory_space<vmem>>, vector<1x50x50xf32>
    %get3A_780 = vector.shape_cast %get3A_779 : vector<1x50x50xf32> to vector<50x50xf32>
    %slice3A_781 = vector.extract_strided_slice %add3A_69 {offsets = [2050, 0], sizes = [50, 128], strides = [1, 1]} : vector<3200x128xf32> to vector<50x128xf32>
    %dot_general3A_782 = arith.constant dense<0.000000e+00> : vector<50x128xf32>
    %dot_general3A_783 = tpu.matmul %get3A_780, %slice3A_781, %dot_general3A_782 {dimension_numbers = #tpu.dot_dimension_numbers<[1], [0], [0], [1], [0, 0, 1, 1], [], []>, transpose_lhs_hint = false} : vector<50x50xf32>, vector<50x128xf32>, vector<50x128xf32> -> vector<50x128xf32>
    %get3A_784 = arith.constant 41 : index
    %get3A_785 = arith.constant 0 : index
    %get3A_786 = arith.constant 0 : index
    %get3A_787 = vector.load %arg4[%get3A_784, %get3A_785, %get3A_786] : memref<64x50x50xf32, #tpu.memory_space<vmem>>, vector<1x50x50xf32>
    %get3A_788 = vector.shape_cast %get3A_787 : vector<1x50x50xf32> to vector<50x50xf32>
    %slice3A_789 = vector.extract_strided_slice %add3A_79 {offsets = [2050, 0], sizes = [50, 128], strides = [1, 1]} : vector<3200x128xf32> to vector<50x128xf32>
    %dot_general3A_790 = arith.constant dense<0.000000e+00> : vector<50x128xf32>
    %dot_general3A_791 = tpu.matmul %get3A_788, %slice3A_789, %dot_general3A_790 {dimension_numbers = #tpu.dot_dimension_numbers<[1], [0], [0], [1], [0, 0, 1, 1], [], []>, transpose_lhs_hint = false} : vector<50x50xf32>, vector<50x128xf32>, vector<50x128xf32> -> vector<50x128xf32>
    %concatenate3A_792 = tpu.concatenate %dot_general3A_783, %dot_general3A_791 in 1 : vector<50x128xf32>, vector<50x128xf32> -> vector<50x256xf32>
    %get3A_793 = arith.constant 42 : index
    %get3A_794 = arith.constant 0 : index
    %get3A_795 = arith.constant 0 : index
    %get3A_796 = vector.load %arg3[%get3A_793, %get3A_794, %get3A_795] : memref<64x50x50xf32, #tpu.memory_space<vmem>>, vector<1x50x50xf32>
    %get3A_797 = vector.shape_cast %get3A_796 : vector<1x50x50xf32> to vector<50x50xf32>
    %slice3A_798 = vector.extract_strided_slice %add3A_69 {offsets = [2100, 0], sizes = [50, 128], strides = [1, 1]} : vector<3200x128xf32> to vector<50x128xf32>
    %dot_general3A_799 = arith.constant dense<0.000000e+00> : vector<50x128xf32>
    %dot_general3A_800 = tpu.matmul %get3A_797, %slice3A_798, %dot_general3A_799 {dimension_numbers = #tpu.dot_dimension_numbers<[1], [0], [0], [1], [0, 0, 1, 1], [], []>, transpose_lhs_hint = false} : vector<50x50xf32>, vector<50x128xf32>, vector<50x128xf32> -> vector<50x128xf32>
    %get3A_801 = arith.constant 42 : index
    %get3A_802 = arith.constant 0 : index
    %get3A_803 = arith.constant 0 : index
    %get3A_804 = vector.load %arg4[%get3A_801, %get3A_802, %get3A_803] : memref<64x50x50xf32, #tpu.memory_space<vmem>>, vector<1x50x50xf32>
    %get3A_805 = vector.shape_cast %get3A_804 : vector<1x50x50xf32> to vector<50x50xf32>
    %slice3A_806 = vector.extract_strided_slice %add3A_79 {offsets = [2100, 0], sizes = [50, 128], strides = [1, 1]} : vector<3200x128xf32> to vector<50x128xf32>
    %dot_general3A_807 = arith.constant dense<0.000000e+00> : vector<50x128xf32>
    %dot_general3A_808 = tpu.matmul %get3A_805, %slice3A_806, %dot_general3A_807 {dimension_numbers = #tpu.dot_dimension_numbers<[1], [0], [0], [1], [0, 0, 1, 1], [], []>, transpose_lhs_hint = false} : vector<50x50xf32>, vector<50x128xf32>, vector<50x128xf32> -> vector<50x128xf32>
    %concatenate3A_809 = tpu.concatenate %dot_general3A_800, %dot_general3A_808 in 1 : vector<50x128xf32>, vector<50x128xf32> -> vector<50x256xf32>
    %get3A_810 = arith.constant 43 : index
    %get3A_811 = arith.constant 0 : index
    %get3A_812 = arith.constant 0 : index
    %get3A_813 = vector.load %arg3[%get3A_810, %get3A_811, %get3A_812] : memref<64x50x50xf32, #tpu.memory_space<vmem>>, vector<1x50x50xf32>
    %get3A_814 = vector.shape_cast %get3A_813 : vector<1x50x50xf32> to vector<50x50xf32>
    %slice3A_815 = vector.extract_strided_slice %add3A_69 {offsets = [2150, 0], sizes = [50, 128], strides = [1, 1]} : vector<3200x128xf32> to vector<50x128xf32>
    %dot_general3A_816 = arith.constant dense<0.000000e+00> : vector<50x128xf32>
    %dot_general3A_817 = tpu.matmul %get3A_814, %slice3A_815, %dot_general3A_816 {dimension_numbers = #tpu.dot_dimension_numbers<[1], [0], [0], [1], [0, 0, 1, 1], [], []>, transpose_lhs_hint = false} : vector<50x50xf32>, vector<50x128xf32>, vector<50x128xf32> -> vector<50x128xf32>
    %get3A_818 = arith.constant 43 : index
    %get3A_819 = arith.constant 0 : index
    %get3A_820 = arith.constant 0 : index
    %get3A_821 = vector.load %arg4[%get3A_818, %get3A_819, %get3A_820] : memref<64x50x50xf32, #tpu.memory_space<vmem>>, vector<1x50x50xf32>
    %get3A_822 = vector.shape_cast %get3A_821 : vector<1x50x50xf32> to vector<50x50xf32>
    %slice3A_823 = vector.extract_strided_slice %add3A_79 {offsets = [2150, 0], sizes = [50, 128], strides = [1, 1]} : vector<3200x128xf32> to vector<50x128xf32>
    %dot_general3A_824 = arith.constant dense<0.000000e+00> : vector<50x128xf32>
    %dot_general3A_825 = tpu.matmul %get3A_822, %slice3A_823, %dot_general3A_824 {dimension_numbers = #tpu.dot_dimension_numbers<[1], [0], [0], [1], [0, 0, 1, 1], [], []>, transpose_lhs_hint = false} : vector<50x50xf32>, vector<50x128xf32>, vector<50x128xf32> -> vector<50x128xf32>
    %concatenate3A_826 = tpu.concatenate %dot_general3A_817, %dot_general3A_825 in 1 : vector<50x128xf32>, vector<50x128xf32> -> vector<50x256xf32>
    %get3A_827 = arith.constant 44 : index
    %get3A_828 = arith.constant 0 : index
    %get3A_829 = arith.constant 0 : index
    %get3A_830 = vector.load %arg3[%get3A_827, %get3A_828, %get3A_829] : memref<64x50x50xf32, #tpu.memory_space<vmem>>, vector<1x50x50xf32>
    %get3A_831 = vector.shape_cast %get3A_830 : vector<1x50x50xf32> to vector<50x50xf32>
    %slice3A_832 = vector.extract_strided_slice %add3A_69 {offsets = [2200, 0], sizes = [50, 128], strides = [1, 1]} : vector<3200x128xf32> to vector<50x128xf32>
    %dot_general3A_833 = arith.constant dense<0.000000e+00> : vector<50x128xf32>
    %dot_general3A_834 = tpu.matmul %get3A_831, %slice3A_832, %dot_general3A_833 {dimension_numbers = #tpu.dot_dimension_numbers<[1], [0], [0], [1], [0, 0, 1, 1], [], []>, transpose_lhs_hint = false} : vector<50x50xf32>, vector<50x128xf32>, vector<50x128xf32> -> vector<50x128xf32>
    %get3A_835 = arith.constant 44 : index
    %get3A_836 = arith.constant 0 : index
    %get3A_837 = arith.constant 0 : index
    %get3A_838 = vector.load %arg4[%get3A_835, %get3A_836, %get3A_837] : memref<64x50x50xf32, #tpu.memory_space<vmem>>, vector<1x50x50xf32>
    %get3A_839 = vector.shape_cast %get3A_838 : vector<1x50x50xf32> to vector<50x50xf32>
    %slice3A_840 = vector.extract_strided_slice %add3A_79 {offsets = [2200, 0], sizes = [50, 128], strides = [1, 1]} : vector<3200x128xf32> to vector<50x128xf32>
    %dot_general3A_841 = arith.constant dense<0.000000e+00> : vector<50x128xf32>
    %dot_general3A_842 = tpu.matmul %get3A_839, %slice3A_840, %dot_general3A_841 {dimension_numbers = #tpu.dot_dimension_numbers<[1], [0], [0], [1], [0, 0, 1, 1], [], []>, transpose_lhs_hint = false} : vector<50x50xf32>, vector<50x128xf32>, vector<50x128xf32> -> vector<50x128xf32>
    %concatenate3A_843 = tpu.concatenate %dot_general3A_834, %dot_general3A_842 in 1 : vector<50x128xf32>, vector<50x128xf32> -> vector<50x256xf32>
    %get3A_844 = arith.constant 45 : index
    %get3A_845 = arith.constant 0 : index
    %get3A_846 = arith.constant 0 : index
    %get3A_847 = vector.load %arg3[%get3A_844, %get3A_845, %get3A_846] : memref<64x50x50xf32, #tpu.memory_space<vmem>>, vector<1x50x50xf32>
    %get3A_848 = vector.shape_cast %get3A_847 : vector<1x50x50xf32> to vector<50x50xf32>
    %slice3A_849 = vector.extract_strided_slice %add3A_69 {offsets = [2250, 0], sizes = [50, 128], strides = [1, 1]} : vector<3200x128xf32> to vector<50x128xf32>
    %dot_general3A_850 = arith.constant dense<0.000000e+00> : vector<50x128xf32>
    %dot_general3A_851 = tpu.matmul %get3A_848, %slice3A_849, %dot_general3A_850 {dimension_numbers = #tpu.dot_dimension_numbers<[1], [0], [0], [1], [0, 0, 1, 1], [], []>, transpose_lhs_hint = false} : vector<50x50xf32>, vector<50x128xf32>, vector<50x128xf32> -> vector<50x128xf32>
    %get3A_852 = arith.constant 45 : index
    %get3A_853 = arith.constant 0 : index
    %get3A_854 = arith.constant 0 : index
    %get3A_855 = vector.load %arg4[%get3A_852, %get3A_853, %get3A_854] : memref<64x50x50xf32, #tpu.memory_space<vmem>>, vector<1x50x50xf32>
    %get3A_856 = vector.shape_cast %get3A_855 : vector<1x50x50xf32> to vector<50x50xf32>
    %slice3A_857 = vector.extract_strided_slice %add3A_79 {offsets = [2250, 0], sizes = [50, 128], strides = [1, 1]} : vector<3200x128xf32> to vector<50x128xf32>
    %dot_general3A_858 = arith.constant dense<0.000000e+00> : vector<50x128xf32>
    %dot_general3A_859 = tpu.matmul %get3A_856, %slice3A_857, %dot_general3A_858 {dimension_numbers = #tpu.dot_dimension_numbers<[1], [0], [0], [1], [0, 0, 1, 1], [], []>, transpose_lhs_hint = false} : vector<50x50xf32>, vector<50x128xf32>, vector<50x128xf32> -> vector<50x128xf32>
    %concatenate3A_860 = tpu.concatenate %dot_general3A_851, %dot_general3A_859 in 1 : vector<50x128xf32>, vector<50x128xf32> -> vector<50x256xf32>
    %get3A_861 = arith.constant 46 : index
    %get3A_862 = arith.constant 0 : index
    %get3A_863 = arith.constant 0 : index
    %get3A_864 = vector.load %arg3[%get3A_861, %get3A_862, %get3A_863] : memref<64x50x50xf32, #tpu.memory_space<vmem>>, vector<1x50x50xf32>
    %get3A_865 = vector.shape_cast %get3A_864 : vector<1x50x50xf32> to vector<50x50xf32>
    %slice3A_866 = vector.extract_strided_slice %add3A_69 {offsets = [2300, 0], sizes = [50, 128], strides = [1, 1]} : vector<3200x128xf32> to vector<50x128xf32>
    %dot_general3A_867 = arith.constant dense<0.000000e+00> : vector<50x128xf32>
    %dot_general3A_868 = tpu.matmul %get3A_865, %slice3A_866, %dot_general3A_867 {dimension_numbers = #tpu.dot_dimension_numbers<[1], [0], [0], [1], [0, 0, 1, 1], [], []>, transpose_lhs_hint = false} : vector<50x50xf32>, vector<50x128xf32>, vector<50x128xf32> -> vector<50x128xf32>
    %get3A_869 = arith.constant 46 : index
    %get3A_870 = arith.constant 0 : index
    %get3A_871 = arith.constant 0 : index
    %get3A_872 = vector.load %arg4[%get3A_869, %get3A_870, %get3A_871] : memref<64x50x50xf32, #tpu.memory_space<vmem>>, vector<1x50x50xf32>
    %get3A_873 = vector.shape_cast %get3A_872 : vector<1x50x50xf32> to vector<50x50xf32>
    %slice3A_874 = vector.extract_strided_slice %add3A_79 {offsets = [2300, 0], sizes = [50, 128], strides = [1, 1]} : vector<3200x128xf32> to vector<50x128xf32>
    %dot_general3A_875 = arith.constant dense<0.000000e+00> : vector<50x128xf32>
    %dot_general3A_876 = tpu.matmul %get3A_873, %slice3A_874, %dot_general3A_875 {dimension_numbers = #tpu.dot_dimension_numbers<[1], [0], [0], [1], [0, 0, 1, 1], [], []>, transpose_lhs_hint = false} : vector<50x50xf32>, vector<50x128xf32>, vector<50x128xf32> -> vector<50x128xf32>
    %concatenate3A_877 = tpu.concatenate %dot_general3A_868, %dot_general3A_876 in 1 : vector<50x128xf32>, vector<50x128xf32> -> vector<50x256xf32>
    %get3A_878 = arith.constant 47 : index
    %get3A_879 = arith.constant 0 : index
    %get3A_880 = arith.constant 0 : index
    %get3A_881 = vector.load %arg3[%get3A_878, %get3A_879, %get3A_880] : memref<64x50x50xf32, #tpu.memory_space<vmem>>, vector<1x50x50xf32>
    %get3A_882 = vector.shape_cast %get3A_881 : vector<1x50x50xf32> to vector<50x50xf32>
    %slice3A_883 = vector.extract_strided_slice %add3A_69 {offsets = [2350, 0], sizes = [50, 128], strides = [1, 1]} : vector<3200x128xf32> to vector<50x128xf32>
    %dot_general3A_884 = arith.constant dense<0.000000e+00> : vector<50x128xf32>
    %dot_general3A_885 = tpu.matmul %get3A_882, %slice3A_883, %dot_general3A_884 {dimension_numbers = #tpu.dot_dimension_numbers<[1], [0], [0], [1], [0, 0, 1, 1], [], []>, transpose_lhs_hint = false} : vector<50x50xf32>, vector<50x128xf32>, vector<50x128xf32> -> vector<50x128xf32>
    %get3A_886 = arith.constant 47 : index
    %get3A_887 = arith.constant 0 : index
    %get3A_888 = arith.constant 0 : index
    %get3A_889 = vector.load %arg4[%get3A_886, %get3A_887, %get3A_888] : memref<64x50x50xf32, #tpu.memory_space<vmem>>, vector<1x50x50xf32>
    %get3A_890 = vector.shape_cast %get3A_889 : vector<1x50x50xf32> to vector<50x50xf32>
    %slice3A_891 = vector.extract_strided_slice %add3A_79 {offsets = [2350, 0], sizes = [50, 128], strides = [1, 1]} : vector<3200x128xf32> to vector<50x128xf32>
    %dot_general3A_892 = arith.constant dense<0.000000e+00> : vector<50x128xf32>
    %dot_general3A_893 = tpu.matmul %get3A_890, %slice3A_891, %dot_general3A_892 {dimension_numbers = #tpu.dot_dimension_numbers<[1], [0], [0], [1], [0, 0, 1, 1], [], []>, transpose_lhs_hint = false} : vector<50x50xf32>, vector<50x128xf32>, vector<50x128xf32> -> vector<50x128xf32>
    %concatenate3A_894 = tpu.concatenate %dot_general3A_885, %dot_general3A_893 in 1 : vector<50x128xf32>, vector<50x128xf32> -> vector<50x256xf32>
    %get3A_895 = arith.constant 48 : index
    %get3A_896 = arith.constant 0 : index
    %get3A_897 = arith.constant 0 : index
    %get3A_898 = vector.load %arg3[%get3A_895, %get3A_896, %get3A_897] : memref<64x50x50xf32, #tpu.memory_space<vmem>>, vector<1x50x50xf32>
    %get3A_899 = vector.shape_cast %get3A_898 : vector<1x50x50xf32> to vector<50x50xf32>
    %slice3A_900 = vector.extract_strided_slice %add3A_69 {offsets = [2400, 0], sizes = [50, 128], strides = [1, 1]} : vector<3200x128xf32> to vector<50x128xf32>
    %dot_general3A_901 = arith.constant dense<0.000000e+00> : vector<50x128xf32>
    %dot_general3A_902 = tpu.matmul %get3A_899, %slice3A_900, %dot_general3A_901 {dimension_numbers = #tpu.dot_dimension_numbers<[1], [0], [0], [1], [0, 0, 1, 1], [], []>, transpose_lhs_hint = false} : vector<50x50xf32>, vector<50x128xf32>, vector<50x128xf32> -> vector<50x128xf32>
    %get3A_903 = arith.constant 48 : index
    %get3A_904 = arith.constant 0 : index
    %get3A_905 = arith.constant 0 : index
    %get3A_906 = vector.load %arg4[%get3A_903, %get3A_904, %get3A_905] : memref<64x50x50xf32, #tpu.memory_space<vmem>>, vector<1x50x50xf32>
    %get3A_907 = vector.shape_cast %get3A_906 : vector<1x50x50xf32> to vector<50x50xf32>
    %slice3A_908 = vector.extract_strided_slice %add3A_79 {offsets = [2400, 0], sizes = [50, 128], strides = [1, 1]} : vector<3200x128xf32> to vector<50x128xf32>
    %dot_general3A_909 = arith.constant dense<0.000000e+00> : vector<50x128xf32>
    %dot_general3A_910 = tpu.matmul %get3A_907, %slice3A_908, %dot_general3A_909 {dimension_numbers = #tpu.dot_dimension_numbers<[1], [0], [0], [1], [0, 0, 1, 1], [], []>, transpose_lhs_hint = false} : vector<50x50xf32>, vector<50x128xf32>, vector<50x128xf32> -> vector<50x128xf32>
    %concatenate3A_911 = tpu.concatenate %dot_general3A_902, %dot_general3A_910 in 1 : vector<50x128xf32>, vector<50x128xf32> -> vector<50x256xf32>
    %get3A_912 = arith.constant 49 : index
    %get3A_913 = arith.constant 0 : index
    %get3A_914 = arith.constant 0 : index
    %get3A_915 = vector.load %arg3[%get3A_912, %get3A_913, %get3A_914] : memref<64x50x50xf32, #tpu.memory_space<vmem>>, vector<1x50x50xf32>
    %get3A_916 = vector.shape_cast %get3A_915 : vector<1x50x50xf32> to vector<50x50xf32>
    %slice3A_917 = vector.extract_strided_slice %add3A_69 {offsets = [2450, 0], sizes = [50, 128], strides = [1, 1]} : vector<3200x128xf32> to vector<50x128xf32>
    %dot_general3A_918 = arith.constant dense<0.000000e+00> : vector<50x128xf32>
    %dot_general3A_919 = tpu.matmul %get3A_916, %slice3A_917, %dot_general3A_918 {dimension_numbers = #tpu.dot_dimension_numbers<[1], [0], [0], [1], [0, 0, 1, 1], [], []>, transpose_lhs_hint = false} : vector<50x50xf32>, vector<50x128xf32>, vector<50x128xf32> -> vector<50x128xf32>
    %get3A_920 = arith.constant 49 : index
    %get3A_921 = arith.constant 0 : index
    %get3A_922 = arith.constant 0 : index
    %get3A_923 = vector.load %arg4[%get3A_920, %get3A_921, %get3A_922] : memref<64x50x50xf32, #tpu.memory_space<vmem>>, vector<1x50x50xf32>
    %get3A_924 = vector.shape_cast %get3A_923 : vector<1x50x50xf32> to vector<50x50xf32>
    %slice3A_925 = vector.extract_strided_slice %add3A_79 {offsets = [2450, 0], sizes = [50, 128], strides = [1, 1]} : vector<3200x128xf32> to vector<50x128xf32>
    %dot_general3A_926 = arith.constant dense<0.000000e+00> : vector<50x128xf32>
    %dot_general3A_927 = tpu.matmul %get3A_924, %slice3A_925, %dot_general3A_926 {dimension_numbers = #tpu.dot_dimension_numbers<[1], [0], [0], [1], [0, 0, 1, 1], [], []>, transpose_lhs_hint = false} : vector<50x50xf32>, vector<50x128xf32>, vector<50x128xf32> -> vector<50x128xf32>
    %concatenate3A_928 = tpu.concatenate %dot_general3A_919, %dot_general3A_927 in 1 : vector<50x128xf32>, vector<50x128xf32> -> vector<50x256xf32>
    %get3A_929 = arith.constant 50 : index
    %get3A_930 = arith.constant 0 : index
    %get3A_931 = arith.constant 0 : index
    %get3A_932 = vector.load %arg3[%get3A_929, %get3A_930, %get3A_931] : memref<64x50x50xf32, #tpu.memory_space<vmem>>, vector<1x50x50xf32>
    %get3A_933 = vector.shape_cast %get3A_932 : vector<1x50x50xf32> to vector<50x50xf32>
    %slice3A_934 = vector.extract_strided_slice %add3A_69 {offsets = [2500, 0], sizes = [50, 128], strides = [1, 1]} : vector<3200x128xf32> to vector<50x128xf32>
    %dot_general3A_935 = arith.constant dense<0.000000e+00> : vector<50x128xf32>
    %dot_general3A_936 = tpu.matmul %get3A_933, %slice3A_934, %dot_general3A_935 {dimension_numbers = #tpu.dot_dimension_numbers<[1], [0], [0], [1], [0, 0, 1, 1], [], []>, transpose_lhs_hint = false} : vector<50x50xf32>, vector<50x128xf32>, vector<50x128xf32> -> vector<50x128xf32>
    %get3A_937 = arith.constant 50 : index
    %get3A_938 = arith.constant 0 : index
    %get3A_939 = arith.constant 0 : index
    %get3A_940 = vector.load %arg4[%get3A_937, %get3A_938, %get3A_939] : memref<64x50x50xf32, #tpu.memory_space<vmem>>, vector<1x50x50xf32>
    %get3A_941 = vector.shape_cast %get3A_940 : vector<1x50x50xf32> to vector<50x50xf32>
    %slice3A_942 = vector.extract_strided_slice %add3A_79 {offsets = [2500, 0], sizes = [50, 128], strides = [1, 1]} : vector<3200x128xf32> to vector<50x128xf32>
    %dot_general3A_943 = arith.constant dense<0.000000e+00> : vector<50x128xf32>
    %dot_general3A_944 = tpu.matmul %get3A_941, %slice3A_942, %dot_general3A_943 {dimension_numbers = #tpu.dot_dimension_numbers<[1], [0], [0], [1], [0, 0, 1, 1], [], []>, transpose_lhs_hint = false} : vector<50x50xf32>, vector<50x128xf32>, vector<50x128xf32> -> vector<50x128xf32>
    %concatenate3A_945 = tpu.concatenate %dot_general3A_936, %dot_general3A_944 in 1 : vector<50x128xf32>, vector<50x128xf32> -> vector<50x256xf32>
    %get3A_946 = arith.constant 51 : index
    %get3A_947 = arith.constant 0 : index
    %get3A_948 = arith.constant 0 : index
    %get3A_949 = vector.load %arg3[%get3A_946, %get3A_947, %get3A_948] : memref<64x50x50xf32, #tpu.memory_space<vmem>>, vector<1x50x50xf32>
    %get3A_950 = vector.shape_cast %get3A_949 : vector<1x50x50xf32> to vector<50x50xf32>
    %slice3A_951 = vector.extract_strided_slice %add3A_69 {offsets = [2550, 0], sizes = [50, 128], strides = [1, 1]} : vector<3200x128xf32> to vector<50x128xf32>
    %dot_general3A_952 = arith.constant dense<0.000000e+00> : vector<50x128xf32>
    %dot_general3A_953 = tpu.matmul %get3A_950, %slice3A_951, %dot_general3A_952 {dimension_numbers = #tpu.dot_dimension_numbers<[1], [0], [0], [1], [0, 0, 1, 1], [], []>, transpose_lhs_hint = false} : vector<50x50xf32>, vector<50x128xf32>, vector<50x128xf32> -> vector<50x128xf32>
    %get3A_954 = arith.constant 51 : index
    %get3A_955 = arith.constant 0 : index
    %get3A_956 = arith.constant 0 : index
    %get3A_957 = vector.load %arg4[%get3A_954, %get3A_955, %get3A_956] : memref<64x50x50xf32, #tpu.memory_space<vmem>>, vector<1x50x50xf32>
    %get3A_958 = vector.shape_cast %get3A_957 : vector<1x50x50xf32> to vector<50x50xf32>
    %slice3A_959 = vector.extract_strided_slice %add3A_79 {offsets = [2550, 0], sizes = [50, 128], strides = [1, 1]} : vector<3200x128xf32> to vector<50x128xf32>
    %dot_general3A_960 = arith.constant dense<0.000000e+00> : vector<50x128xf32>
    %dot_general3A_961 = tpu.matmul %get3A_958, %slice3A_959, %dot_general3A_960 {dimension_numbers = #tpu.dot_dimension_numbers<[1], [0], [0], [1], [0, 0, 1, 1], [], []>, transpose_lhs_hint = false} : vector<50x50xf32>, vector<50x128xf32>, vector<50x128xf32> -> vector<50x128xf32>
    %concatenate3A_962 = tpu.concatenate %dot_general3A_953, %dot_general3A_961 in 1 : vector<50x128xf32>, vector<50x128xf32> -> vector<50x256xf32>
    %get3A_963 = arith.constant 52 : index
    %get3A_964 = arith.constant 0 : index
    %get3A_965 = arith.constant 0 : index
    %get3A_966 = vector.load %arg3[%get3A_963, %get3A_964, %get3A_965] : memref<64x50x50xf32, #tpu.memory_space<vmem>>, vector<1x50x50xf32>
    %get3A_967 = vector.shape_cast %get3A_966 : vector<1x50x50xf32> to vector<50x50xf32>
    %slice3A_968 = vector.extract_strided_slice %add3A_69 {offsets = [2600, 0], sizes = [50, 128], strides = [1, 1]} : vector<3200x128xf32> to vector<50x128xf32>
    %dot_general3A_969 = arith.constant dense<0.000000e+00> : vector<50x128xf32>
    %dot_general3A_970 = tpu.matmul %get3A_967, %slice3A_968, %dot_general3A_969 {dimension_numbers = #tpu.dot_dimension_numbers<[1], [0], [0], [1], [0, 0, 1, 1], [], []>, transpose_lhs_hint = false} : vector<50x50xf32>, vector<50x128xf32>, vector<50x128xf32> -> vector<50x128xf32>
    %get3A_971 = arith.constant 52 : index
    %get3A_972 = arith.constant 0 : index
    %get3A_973 = arith.constant 0 : index
    %get3A_974 = vector.load %arg4[%get3A_971, %get3A_972, %get3A_973] : memref<64x50x50xf32, #tpu.memory_space<vmem>>, vector<1x50x50xf32>
    %get3A_975 = vector.shape_cast %get3A_974 : vector<1x50x50xf32> to vector<50x50xf32>
    %slice3A_976 = vector.extract_strided_slice %add3A_79 {offsets = [2600, 0], sizes = [50, 128], strides = [1, 1]} : vector<3200x128xf32> to vector<50x128xf32>
    %dot_general3A_977 = arith.constant dense<0.000000e+00> : vector<50x128xf32>
    %dot_general3A_978 = tpu.matmul %get3A_975, %slice3A_976, %dot_general3A_977 {dimension_numbers = #tpu.dot_dimension_numbers<[1], [0], [0], [1], [0, 0, 1, 1], [], []>, transpose_lhs_hint = false} : vector<50x50xf32>, vector<50x128xf32>, vector<50x128xf32> -> vector<50x128xf32>
    %concatenate3A_979 = tpu.concatenate %dot_general3A_970, %dot_general3A_978 in 1 : vector<50x128xf32>, vector<50x128xf32> -> vector<50x256xf32>
    %get3A_980 = arith.constant 53 : index
    %get3A_981 = arith.constant 0 : index
    %get3A_982 = arith.constant 0 : index
    %get3A_983 = vector.load %arg3[%get3A_980, %get3A_981, %get3A_982] : memref<64x50x50xf32, #tpu.memory_space<vmem>>, vector<1x50x50xf32>
    %get3A_984 = vector.shape_cast %get3A_983 : vector<1x50x50xf32> to vector<50x50xf32>
    %slice3A_985 = vector.extract_strided_slice %add3A_69 {offsets = [2650, 0], sizes = [50, 128], strides = [1, 1]} : vector<3200x128xf32> to vector<50x128xf32>
    %dot_general3A_986 = arith.constant dense<0.000000e+00> : vector<50x128xf32>
    %dot_general3A_987 = tpu.matmul %get3A_984, %slice3A_985, %dot_general3A_986 {dimension_numbers = #tpu.dot_dimension_numbers<[1], [0], [0], [1], [0, 0, 1, 1], [], []>, transpose_lhs_hint = false} : vector<50x50xf32>, vector<50x128xf32>, vector<50x128xf32> -> vector<50x128xf32>
    %get3A_988 = arith.constant 53 : index
    %get3A_989 = arith.constant 0 : index
    %get3A_990 = arith.constant 0 : index
    %get3A_991 = vector.load %arg4[%get3A_988, %get3A_989, %get3A_990] : memref<64x50x50xf32, #tpu.memory_space<vmem>>, vector<1x50x50xf32>
    %get3A_992 = vector.shape_cast %get3A_991 : vector<1x50x50xf32> to vector<50x50xf32>
    %slice3A_993 = vector.extract_strided_slice %add3A_79 {offsets = [2650, 0], sizes = [50, 128], strides = [1, 1]} : vector<3200x128xf32> to vector<50x128xf32>
    %dot_general3A_994 = arith.constant dense<0.000000e+00> : vector<50x128xf32>
    %dot_general3A_995 = tpu.matmul %get3A_992, %slice3A_993, %dot_general3A_994 {dimension_numbers = #tpu.dot_dimension_numbers<[1], [0], [0], [1], [0, 0, 1, 1], [], []>, transpose_lhs_hint = false} : vector<50x50xf32>, vector<50x128xf32>, vector<50x128xf32> -> vector<50x128xf32>
    %concatenate3A_996 = tpu.concatenate %dot_general3A_987, %dot_general3A_995 in 1 : vector<50x128xf32>, vector<50x128xf32> -> vector<50x256xf32>
    %get3A_997 = arith.constant 54 : index
    %get3A_998 = arith.constant 0 : index
    %get3A_999 = arith.constant 0 : index
    %get3A_1000 = vector.load %arg3[%get3A_997, %get3A_998, %get3A_999] : memref<64x50x50xf32, #tpu.memory_space<vmem>>, vector<1x50x50xf32>
    %get3A_1001 = vector.shape_cast %get3A_1000 : vector<1x50x50xf32> to vector<50x50xf32>
    %slice3A_1002 = vector.extract_strided_slice %add3A_69 {offsets = [2700, 0], sizes = [50, 128], strides = [1, 1]} : vector<3200x128xf32> to vector<50x128xf32>
    %dot_general3A_1003 = arith.constant dense<0.000000e+00> : vector<50x128xf32>
    %dot_general3A_1004 = tpu.matmul %get3A_1001, %slice3A_1002, %dot_general3A_1003 {dimension_numbers = #tpu.dot_dimension_numbers<[1], [0], [0], [1], [0, 0, 1, 1], [], []>, transpose_lhs_hint = false} : vector<50x50xf32>, vector<50x128xf32>, vector<50x128xf32> -> vector<50x128xf32>
    %get3A_1005 = arith.constant 54 : index
    %get3A_1006 = arith.constant 0 : index
    %get3A_1007 = arith.constant 0 : index
    %get3A_1008 = vector.load %arg4[%get3A_1005, %get3A_1006, %get3A_1007] : memref<64x50x50xf32, #tpu.memory_space<vmem>>, vector<1x50x50xf32>
    %get3A_1009 = vector.shape_cast %get3A_1008 : vector<1x50x50xf32> to vector<50x50xf32>
    %slice3A_1010 = vector.extract_strided_slice %add3A_79 {offsets = [2700, 0], sizes = [50, 128], strides = [1, 1]} : vector<3200x128xf32> to vector<50x128xf32>
    %dot_general3A_1011 = arith.constant dense<0.000000e+00> : vector<50x128xf32>
    %dot_general3A_1012 = tpu.matmul %get3A_1009, %slice3A_1010, %dot_general3A_1011 {dimension_numbers = #tpu.dot_dimension_numbers<[1], [0], [0], [1], [0, 0, 1, 1], [], []>, transpose_lhs_hint = false} : vector<50x50xf32>, vector<50x128xf32>, vector<50x128xf32> -> vector<50x128xf32>
    %concatenate3A_1013 = tpu.concatenate %dot_general3A_1004, %dot_general3A_1012 in 1 : vector<50x128xf32>, vector<50x128xf32> -> vector<50x256xf32>
    %get3A_1014 = arith.constant 55 : index
    %get3A_1015 = arith.constant 0 : index
    %get3A_1016 = arith.constant 0 : index
    %get3A_1017 = vector.load %arg3[%get3A_1014, %get3A_1015, %get3A_1016] : memref<64x50x50xf32, #tpu.memory_space<vmem>>, vector<1x50x50xf32>
    %get3A_1018 = vector.shape_cast %get3A_1017 : vector<1x50x50xf32> to vector<50x50xf32>
    %slice3A_1019 = vector.extract_strided_slice %add3A_69 {offsets = [2750, 0], sizes = [50, 128], strides = [1, 1]} : vector<3200x128xf32> to vector<50x128xf32>
    %dot_general3A_1020 = arith.constant dense<0.000000e+00> : vector<50x128xf32>
    %dot_general3A_1021 = tpu.matmul %get3A_1018, %slice3A_1019, %dot_general3A_1020 {dimension_numbers = #tpu.dot_dimension_numbers<[1], [0], [0], [1], [0, 0, 1, 1], [], []>, transpose_lhs_hint = false} : vector<50x50xf32>, vector<50x128xf32>, vector<50x128xf32> -> vector<50x128xf32>
    %get3A_1022 = arith.constant 55 : index
    %get3A_1023 = arith.constant 0 : index
    %get3A_1024 = arith.constant 0 : index
    %get3A_1025 = vector.load %arg4[%get3A_1022, %get3A_1023, %get3A_1024] : memref<64x50x50xf32, #tpu.memory_space<vmem>>, vector<1x50x50xf32>
    %get3A_1026 = vector.shape_cast %get3A_1025 : vector<1x50x50xf32> to vector<50x50xf32>
    %slice3A_1027 = vector.extract_strided_slice %add3A_79 {offsets = [2750, 0], sizes = [50, 128], strides = [1, 1]} : vector<3200x128xf32> to vector<50x128xf32>
    %dot_general3A_1028 = arith.constant dense<0.000000e+00> : vector<50x128xf32>
    %dot_general3A_1029 = tpu.matmul %get3A_1026, %slice3A_1027, %dot_general3A_1028 {dimension_numbers = #tpu.dot_dimension_numbers<[1], [0], [0], [1], [0, 0, 1, 1], [], []>, transpose_lhs_hint = false} : vector<50x50xf32>, vector<50x128xf32>, vector<50x128xf32> -> vector<50x128xf32>
    %concatenate3A_1030 = tpu.concatenate %dot_general3A_1021, %dot_general3A_1029 in 1 : vector<50x128xf32>, vector<50x128xf32> -> vector<50x256xf32>
    %get3A_1031 = arith.constant 56 : index
    %get3A_1032 = arith.constant 0 : index
    %get3A_1033 = arith.constant 0 : index
    %get3A_1034 = vector.load %arg3[%get3A_1031, %get3A_1032, %get3A_1033] : memref<64x50x50xf32, #tpu.memory_space<vmem>>, vector<1x50x50xf32>
    %get3A_1035 = vector.shape_cast %get3A_1034 : vector<1x50x50xf32> to vector<50x50xf32>
    %slice3A_1036 = vector.extract_strided_slice %add3A_69 {offsets = [2800, 0], sizes = [50, 128], strides = [1, 1]} : vector<3200x128xf32> to vector<50x128xf32>
    %dot_general3A_1037 = arith.constant dense<0.000000e+00> : vector<50x128xf32>
    %dot_general3A_1038 = tpu.matmul %get3A_1035, %slice3A_1036, %dot_general3A_1037 {dimension_numbers = #tpu.dot_dimension_numbers<[1], [0], [0], [1], [0, 0, 1, 1], [], []>, transpose_lhs_hint = false} : vector<50x50xf32>, vector<50x128xf32>, vector<50x128xf32> -> vector<50x128xf32>
    %get3A_1039 = arith.constant 56 : index
    %get3A_1040 = arith.constant 0 : index
    %get3A_1041 = arith.constant 0 : index
    %get3A_1042 = vector.load %arg4[%get3A_1039, %get3A_1040, %get3A_1041] : memref<64x50x50xf32, #tpu.memory_space<vmem>>, vector<1x50x50xf32>
    %get3A_1043 = vector.shape_cast %get3A_1042 : vector<1x50x50xf32> to vector<50x50xf32>
    %slice3A_1044 = vector.extract_strided_slice %add3A_79 {offsets = [2800, 0], sizes = [50, 128], strides = [1, 1]} : vector<3200x128xf32> to vector<50x128xf32>
    %dot_general3A_1045 = arith.constant dense<0.000000e+00> : vector<50x128xf32>
    %dot_general3A_1046 = tpu.matmul %get3A_1043, %slice3A_1044, %dot_general3A_1045 {dimension_numbers = #tpu.dot_dimension_numbers<[1], [0], [0], [1], [0, 0, 1, 1], [], []>, transpose_lhs_hint = false} : vector<50x50xf32>, vector<50x128xf32>, vector<50x128xf32> -> vector<50x128xf32>
    %concatenate3A_1047 = tpu.concatenate %dot_general3A_1038, %dot_general3A_1046 in 1 : vector<50x128xf32>, vector<50x128xf32> -> vector<50x256xf32>
    %get3A_1048 = arith.constant 57 : index
    %get3A_1049 = arith.constant 0 : index
    %get3A_1050 = arith.constant 0 : index
    %get3A_1051 = vector.load %arg3[%get3A_1048, %get3A_1049, %get3A_1050] : memref<64x50x50xf32, #tpu.memory_space<vmem>>, vector<1x50x50xf32>
    %get3A_1052 = vector.shape_cast %get3A_1051 : vector<1x50x50xf32> to vector<50x50xf32>
    %slice3A_1053 = vector.extract_strided_slice %add3A_69 {offsets = [2850, 0], sizes = [50, 128], strides = [1, 1]} : vector<3200x128xf32> to vector<50x128xf32>
    %dot_general3A_1054 = arith.constant dense<0.000000e+00> : vector<50x128xf32>
    %dot_general3A_1055 = tpu.matmul %get3A_1052, %slice3A_1053, %dot_general3A_1054 {dimension_numbers = #tpu.dot_dimension_numbers<[1], [0], [0], [1], [0, 0, 1, 1], [], []>, transpose_lhs_hint = false} : vector<50x50xf32>, vector<50x128xf32>, vector<50x128xf32> -> vector<50x128xf32>
    %get3A_1056 = arith.constant 57 : index
    %get3A_1057 = arith.constant 0 : index
    %get3A_1058 = arith.constant 0 : index
    %get3A_1059 = vector.load %arg4[%get3A_1056, %get3A_1057, %get3A_1058] : memref<64x50x50xf32, #tpu.memory_space<vmem>>, vector<1x50x50xf32>
    %get3A_1060 = vector.shape_cast %get3A_1059 : vector<1x50x50xf32> to vector<50x50xf32>
    %slice3A_1061 = vector.extract_strided_slice %add3A_79 {offsets = [2850, 0], sizes = [50, 128], strides = [1, 1]} : vector<3200x128xf32> to vector<50x128xf32>
    %dot_general3A_1062 = arith.constant dense<0.000000e+00> : vector<50x128xf32>
    %dot_general3A_1063 = tpu.matmul %get3A_1060, %slice3A_1061, %dot_general3A_1062 {dimension_numbers = #tpu.dot_dimension_numbers<[1], [0], [0], [1], [0, 0, 1, 1], [], []>, transpose_lhs_hint = false} : vector<50x50xf32>, vector<50x128xf32>, vector<50x128xf32> -> vector<50x128xf32>
    %concatenate3A_1064 = tpu.concatenate %dot_general3A_1055, %dot_general3A_1063 in 1 : vector<50x128xf32>, vector<50x128xf32> -> vector<50x256xf32>
    %get3A_1065 = arith.constant 58 : index
    %get3A_1066 = arith.constant 0 : index
    %get3A_1067 = arith.constant 0 : index
    %get3A_1068 = vector.load %arg3[%get3A_1065, %get3A_1066, %get3A_1067] : memref<64x50x50xf32, #tpu.memory_space<vmem>>, vector<1x50x50xf32>
    %get3A_1069 = vector.shape_cast %get3A_1068 : vector<1x50x50xf32> to vector<50x50xf32>
    %slice3A_1070 = vector.extract_strided_slice %add3A_69 {offsets = [2900, 0], sizes = [50, 128], strides = [1, 1]} : vector<3200x128xf32> to vector<50x128xf32>
    %dot_general3A_1071 = arith.constant dense<0.000000e+00> : vector<50x128xf32>
    %dot_general3A_1072 = tpu.matmul %get3A_1069, %slice3A_1070, %dot_general3A_1071 {dimension_numbers = #tpu.dot_dimension_numbers<[1], [0], [0], [1], [0, 0, 1, 1], [], []>, transpose_lhs_hint = false} : vector<50x50xf32>, vector<50x128xf32>, vector<50x128xf32> -> vector<50x128xf32>
    %get3A_1073 = arith.constant 58 : index
    %get3A_1074 = arith.constant 0 : index
    %get3A_1075 = arith.constant 0 : index
    %get3A_1076 = vector.load %arg4[%get3A_1073, %get3A_1074, %get3A_1075] : memref<64x50x50xf32, #tpu.memory_space<vmem>>, vector<1x50x50xf32>
    %get3A_1077 = vector.shape_cast %get3A_1076 : vector<1x50x50xf32> to vector<50x50xf32>
    %slice3A_1078 = vector.extract_strided_slice %add3A_79 {offsets = [2900, 0], sizes = [50, 128], strides = [1, 1]} : vector<3200x128xf32> to vector<50x128xf32>
    %dot_general3A_1079 = arith.constant dense<0.000000e+00> : vector<50x128xf32>
    %dot_general3A_1080 = tpu.matmul %get3A_1077, %slice3A_1078, %dot_general3A_1079 {dimension_numbers = #tpu.dot_dimension_numbers<[1], [0], [0], [1], [0, 0, 1, 1], [], []>, transpose_lhs_hint = false} : vector<50x50xf32>, vector<50x128xf32>, vector<50x128xf32> -> vector<50x128xf32>
    %concatenate3A_1081 = tpu.concatenate %dot_general3A_1072, %dot_general3A_1080 in 1 : vector<50x128xf32>, vector<50x128xf32> -> vector<50x256xf32>
    %get3A_1082 = arith.constant 59 : index
    %get3A_1083 = arith.constant 0 : index
    %get3A_1084 = arith.constant 0 : index
    %get3A_1085 = vector.load %arg3[%get3A_1082, %get3A_1083, %get3A_1084] : memref<64x50x50xf32, #tpu.memory_space<vmem>>, vector<1x50x50xf32>
    %get3A_1086 = vector.shape_cast %get3A_1085 : vector<1x50x50xf32> to vector<50x50xf32>
    %slice3A_1087 = vector.extract_strided_slice %add3A_69 {offsets = [2950, 0], sizes = [50, 128], strides = [1, 1]} : vector<3200x128xf32> to vector<50x128xf32>
    %dot_general3A_1088 = arith.constant dense<0.000000e+00> : vector<50x128xf32>
    %dot_general3A_1089 = tpu.matmul %get3A_1086, %slice3A_1087, %dot_general3A_1088 {dimension_numbers = #tpu.dot_dimension_numbers<[1], [0], [0], [1], [0, 0, 1, 1], [], []>, transpose_lhs_hint = false} : vector<50x50xf32>, vector<50x128xf32>, vector<50x128xf32> -> vector<50x128xf32>
    %get3A_1090 = arith.constant 59 : index
    %get3A_1091 = arith.constant 0 : index
    %get3A_1092 = arith.constant 0 : index
    %get3A_1093 = vector.load %arg4[%get3A_1090, %get3A_1091, %get3A_1092] : memref<64x50x50xf32, #tpu.memory_space<vmem>>, vector<1x50x50xf32>
    %get3A_1094 = vector.shape_cast %get3A_1093 : vector<1x50x50xf32> to vector<50x50xf32>
    %slice3A_1095 = vector.extract_strided_slice %add3A_79 {offsets = [2950, 0], sizes = [50, 128], strides = [1, 1]} : vector<3200x128xf32> to vector<50x128xf32>
    %dot_general3A_1096 = arith.constant dense<0.000000e+00> : vector<50x128xf32>
    %dot_general3A_1097 = tpu.matmul %get3A_1094, %slice3A_1095, %dot_general3A_1096 {dimension_numbers = #tpu.dot_dimension_numbers<[1], [0], [0], [1], [0, 0, 1, 1], [], []>, transpose_lhs_hint = false} : vector<50x50xf32>, vector<50x128xf32>, vector<50x128xf32> -> vector<50x128xf32>
    %concatenate3A_1098 = tpu.concatenate %dot_general3A_1089, %dot_general3A_1097 in 1 : vector<50x128xf32>, vector<50x128xf32> -> vector<50x256xf32>
    %get3A_1099 = arith.constant 60 : index
    %get3A_1100 = arith.constant 0 : index
    %get3A_1101 = arith.constant 0 : index
    %get3A_1102 = vector.load %arg3[%get3A_1099, %get3A_1100, %get3A_1101] : memref<64x50x50xf32, #tpu.memory_space<vmem>>, vector<1x50x50xf32>
    %get3A_1103 = vector.shape_cast %get3A_1102 : vector<1x50x50xf32> to vector<50x50xf32>
    %slice3A_1104 = vector.extract_strided_slice %add3A_69 {offsets = [3000, 0], sizes = [50, 128], strides = [1, 1]} : vector<3200x128xf32> to vector<50x128xf32>
    %dot_general3A_1105 = arith.constant dense<0.000000e+00> : vector<50x128xf32>
    %dot_general3A_1106 = tpu.matmul %get3A_1103, %slice3A_1104, %dot_general3A_1105 {dimension_numbers = #tpu.dot_dimension_numbers<[1], [0], [0], [1], [0, 0, 1, 1], [], []>, transpose_lhs_hint = false} : vector<50x50xf32>, vector<50x128xf32>, vector<50x128xf32> -> vector<50x128xf32>
    %get3A_1107 = arith.constant 60 : index
    %get3A_1108 = arith.constant 0 : index
    %get3A_1109 = arith.constant 0 : index
    %get3A_1110 = vector.load %arg4[%get3A_1107, %get3A_1108, %get3A_1109] : memref<64x50x50xf32, #tpu.memory_space<vmem>>, vector<1x50x50xf32>
    %get3A_1111 = vector.shape_cast %get3A_1110 : vector<1x50x50xf32> to vector<50x50xf32>
    %slice3A_1112 = vector.extract_strided_slice %add3A_79 {offsets = [3000, 0], sizes = [50, 128], strides = [1, 1]} : vector<3200x128xf32> to vector<50x128xf32>
    %dot_general3A_1113 = arith.constant dense<0.000000e+00> : vector<50x128xf32>
    %dot_general3A_1114 = tpu.matmul %get3A_1111, %slice3A_1112, %dot_general3A_1113 {dimension_numbers = #tpu.dot_dimension_numbers<[1], [0], [0], [1], [0, 0, 1, 1], [], []>, transpose_lhs_hint = false} : vector<50x50xf32>, vector<50x128xf32>, vector<50x128xf32> -> vector<50x128xf32>
    %concatenate3A_1115 = tpu.concatenate %dot_general3A_1106, %dot_general3A_1114 in 1 : vector<50x128xf32>, vector<50x128xf32> -> vector<50x256xf32>
    %get3A_1116 = arith.constant 61 : index
    %get3A_1117 = arith.constant 0 : index
    %get3A_1118 = arith.constant 0 : index
    %get3A_1119 = vector.load %arg3[%get3A_1116, %get3A_1117, %get3A_1118] : memref<64x50x50xf32, #tpu.memory_space<vmem>>, vector<1x50x50xf32>
    %get3A_1120 = vector.shape_cast %get3A_1119 : vector<1x50x50xf32> to vector<50x50xf32>
    %slice3A_1121 = vector.extract_strided_slice %add3A_69 {offsets = [3050, 0], sizes = [50, 128], strides = [1, 1]} : vector<3200x128xf32> to vector<50x128xf32>
    %dot_general3A_1122 = arith.constant dense<0.000000e+00> : vector<50x128xf32>
    %dot_general3A_1123 = tpu.matmul %get3A_1120, %slice3A_1121, %dot_general3A_1122 {dimension_numbers = #tpu.dot_dimension_numbers<[1], [0], [0], [1], [0, 0, 1, 1], [], []>, transpose_lhs_hint = false} : vector<50x50xf32>, vector<50x128xf32>, vector<50x128xf32> -> vector<50x128xf32>
    %get3A_1124 = arith.constant 61 : index
    %get3A_1125 = arith.constant 0 : index
    %get3A_1126 = arith.constant 0 : index
    %get3A_1127 = vector.load %arg4[%get3A_1124, %get3A_1125, %get3A_1126] : memref<64x50x50xf32, #tpu.memory_space<vmem>>, vector<1x50x50xf32>
    %get3A_1128 = vector.shape_cast %get3A_1127 : vector<1x50x50xf32> to vector<50x50xf32>
    %slice3A_1129 = vector.extract_strided_slice %add3A_79 {offsets = [3050, 0], sizes = [50, 128], strides = [1, 1]} : vector<3200x128xf32> to vector<50x128xf32>
    %dot_general3A_1130 = arith.constant dense<0.000000e+00> : vector<50x128xf32>
    %dot_general3A_1131 = tpu.matmul %get3A_1128, %slice3A_1129, %dot_general3A_1130 {dimension_numbers = #tpu.dot_dimension_numbers<[1], [0], [0], [1], [0, 0, 1, 1], [], []>, transpose_lhs_hint = false} : vector<50x50xf32>, vector<50x128xf32>, vector<50x128xf32> -> vector<50x128xf32>
    %concatenate3A_1132 = tpu.concatenate %dot_general3A_1123, %dot_general3A_1131 in 1 : vector<50x128xf32>, vector<50x128xf32> -> vector<50x256xf32>
    %get3A_1133 = arith.constant 62 : index
    %get3A_1134 = arith.constant 0 : index
    %get3A_1135 = arith.constant 0 : index
    %get3A_1136 = vector.load %arg3[%get3A_1133, %get3A_1134, %get3A_1135] : memref<64x50x50xf32, #tpu.memory_space<vmem>>, vector<1x50x50xf32>
    %get3A_1137 = vector.shape_cast %get3A_1136 : vector<1x50x50xf32> to vector<50x50xf32>
    %slice3A_1138 = vector.extract_strided_slice %add3A_69 {offsets = [3100, 0], sizes = [50, 128], strides = [1, 1]} : vector<3200x128xf32> to vector<50x128xf32>
    %dot_general3A_1139 = arith.constant dense<0.000000e+00> : vector<50x128xf32>
    %dot_general3A_1140 = tpu.matmul %get3A_1137, %slice3A_1138, %dot_general3A_1139 {dimension_numbers = #tpu.dot_dimension_numbers<[1], [0], [0], [1], [0, 0, 1, 1], [], []>, transpose_lhs_hint = false} : vector<50x50xf32>, vector<50x128xf32>, vector<50x128xf32> -> vector<50x128xf32>
    %get3A_1141 = arith.constant 62 : index
    %get3A_1142 = arith.constant 0 : index
    %get3A_1143 = arith.constant 0 : index
    %get3A_1144 = vector.load %arg4[%get3A_1141, %get3A_1142, %get3A_1143] : memref<64x50x50xf32, #tpu.memory_space<vmem>>, vector<1x50x50xf32>
    %get3A_1145 = vector.shape_cast %get3A_1144 : vector<1x50x50xf32> to vector<50x50xf32>
    %slice3A_1146 = vector.extract_strided_slice %add3A_79 {offsets = [3100, 0], sizes = [50, 128], strides = [1, 1]} : vector<3200x128xf32> to vector<50x128xf32>
    %dot_general3A_1147 = arith.constant dense<0.000000e+00> : vector<50x128xf32>
    %dot_general3A_1148 = tpu.matmul %get3A_1145, %slice3A_1146, %dot_general3A_1147 {dimension_numbers = #tpu.dot_dimension_numbers<[1], [0], [0], [1], [0, 0, 1, 1], [], []>, transpose_lhs_hint = false} : vector<50x50xf32>, vector<50x128xf32>, vector<50x128xf32> -> vector<50x128xf32>
    %concatenate3A_1149 = tpu.concatenate %dot_general3A_1140, %dot_general3A_1148 in 1 : vector<50x128xf32>, vector<50x128xf32> -> vector<50x256xf32>
    %get3A_1150 = arith.constant 63 : index
    %get3A_1151 = arith.constant 0 : index
    %get3A_1152 = arith.constant 0 : index
    %get3A_1153 = vector.load %arg3[%get3A_1150, %get3A_1151, %get3A_1152] : memref<64x50x50xf32, #tpu.memory_space<vmem>>, vector<1x50x50xf32>
    %get3A_1154 = vector.shape_cast %get3A_1153 : vector<1x50x50xf32> to vector<50x50xf32>
    %slice3A_1155 = vector.extract_strided_slice %add3A_69 {offsets = [3150, 0], sizes = [50, 128], strides = [1, 1]} : vector<3200x128xf32> to vector<50x128xf32>
    %dot_general3A_1156 = arith.constant dense<0.000000e+00> : vector<50x128xf32>
    %dot_general3A_1157 = tpu.matmul %get3A_1154, %slice3A_1155, %dot_general3A_1156 {dimension_numbers = #tpu.dot_dimension_numbers<[1], [0], [0], [1], [0, 0, 1, 1], [], []>, transpose_lhs_hint = false} : vector<50x50xf32>, vector<50x128xf32>, vector<50x128xf32> -> vector<50x128xf32>
    %get3A_1158 = arith.constant 63 : index
    %get3A_1159 = arith.constant 0 : index
    %get3A_1160 = arith.constant 0 : index
    %get3A_1161 = vector.load %arg4[%get3A_1158, %get3A_1159, %get3A_1160] : memref<64x50x50xf32, #tpu.memory_space<vmem>>, vector<1x50x50xf32>
    %get3A_1162 = vector.shape_cast %get3A_1161 : vector<1x50x50xf32> to vector<50x50xf32>
    %slice3A_1163 = vector.extract_strided_slice %add3A_79 {offsets = [3150, 0], sizes = [50, 128], strides = [1, 1]} : vector<3200x128xf32> to vector<50x128xf32>
    %dot_general3A_1164 = arith.constant dense<0.000000e+00> : vector<50x128xf32>
    %dot_general3A_1165 = tpu.matmul %get3A_1162, %slice3A_1163, %dot_general3A_1164 {dimension_numbers = #tpu.dot_dimension_numbers<[1], [0], [0], [1], [0, 0, 1, 1], [], []>, transpose_lhs_hint = false} : vector<50x50xf32>, vector<50x128xf32>, vector<50x128xf32> -> vector<50x128xf32>
    %concatenate3A_1166 = tpu.concatenate %dot_general3A_1157, %dot_general3A_1165 in 1 : vector<50x128xf32>, vector<50x128xf32> -> vector<50x256xf32>
    %concatenate3A_1167 = tpu.concatenate %concatenate3A_95, %concatenate3A_112, %concatenate3A_129, %concatenate3A_146, %concatenate3A_163, %concatenate3A_180, %concatenate3A_197, %concatenate3A_214, %concatenate3A_231, %concatenate3A_248, %concatenate3A_265, %concatenate3A_282, %concatenate3A_299, %concatenate3A_316, %concatenate3A_333, %concatenate3A_350, %concatenate3A_367, %concatenate3A_384, %concatenate3A_401, %concatenate3A_418, %concatenate3A_435, %concatenate3A_452, %concatenate3A_469, %concatenate3A_486, %concatenate3A_503, %concatenate3A_520, %concatenate3A_537, %concatenate3A_554, %concatenate3A_571, %concatenate3A_588, %concatenate3A_605, %concatenate3A_622, %concatenate3A_639, %concatenate3A_656, %concatenate3A_673, %concatenate3A_690, %concatenate3A_707, %concatenate3A_724, %concatenate3A_741, %concatenate3A_758, %concatenate3A_775, %concatenate3A_792, %concatenate3A_809, %concatenate3A_826, %concatenate3A_843, %concatenate3A_860, %concatenate3A_877, %concatenate3A_894, %concatenate3A_911, %concatenate3A_928, %concatenate3A_945, %concatenate3A_962, %concatenate3A_979, %concatenate3A_996, %concatenate3A_1013, %concatenate3A_1030, %concatenate3A_1047, %concatenate3A_1064, %concatenate3A_1081, %concatenate3A_1098, %concatenate3A_1115, %concatenate3A_1132, %concatenate3A_1149, %concatenate3A_1166 in 0 : vector<50x256xf32>, vector<50x256xf32>, vector<50x256xf32>, vector<50x256xf32>, vector<50x256xf32>, vector<50x256xf32>, vector<50x256xf32>, vector<50x256xf32>, vector<50x256xf32>, vector<50x256xf32>, vector<50x256xf32>, vector<50x256xf32>, vector<50x256xf32>, vector<50x256xf32>, vector<50x256xf32>, vector<50x256xf32>, vector<50x256xf32>, vector<50x256xf32>, vector<50x256xf32>, vector<50x256xf32>, vector<50x256xf32>, vector<50x256xf32>, vector<50x256xf32>, vector<50x256xf32>, vector<50x256xf32>, vector<50x256xf32>, vector<50x256xf32>, vector<50x256xf32>, vector<50x256xf32>, vector<50x256xf32>, vector<50x256xf32>, vector<50x256xf32>, vector<50x256xf32>, vector<50x256xf32>, vector<50x256xf32>, vector<50x256xf32>, vector<50x256xf32>, vector<50x256xf32>, vector<50x256xf32>, vector<50x256xf32>, vector<50x256xf32>, vector<50x256xf32>, vector<50x256xf32>, vector<50x256xf32>, vector<50x256xf32>, vector<50x256xf32>, vector<50x256xf32>, vector<50x256xf32>, vector<50x256xf32>, vector<50x256xf32>, vector<50x256xf32>, vector<50x256xf32>, vector<50x256xf32>, vector<50x256xf32>, vector<50x256xf32>, vector<50x256xf32>, vector<50x256xf32>, vector<50x256xf32>, vector<50x256xf32>, vector<50x256xf32>, vector<50x256xf32>, vector<50x256xf32>, vector<50x256xf32>, vector<50x256xf32> -> vector<3200x256xf32>
    %get3A_1168 = arith.constant 0 : index
    %get3A_1169 = arith.constant 0 : index
    %get3A_1170 = vector.load %arg15[%get3A_1168, %get3A_1169] : memref<1x128xf32, #tpu.memory_space<vmem>>, vector<1x128xf32>
    %get3A_1171 = arith.constant 0 : index
    %get3A_1172 = arith.constant 0 : index
    %get3A_1173 = vector.load %arg16[%get3A_1171, %get3A_1172] : memref<1x128xf32, #tpu.memory_space<vmem>>, vector<1x128xf32>
    %concatenate3A_1174 = tpu.concatenate %get3A_1170, %get3A_1173 in 1 : vector<1x128xf32>, vector<1x128xf32> -> vector<1x256xf32>
    %add3A_1175 = vector.broadcast %concatenate3A_1174 : vector<1x256xf32> to vector<3200x256xf32>
    %add3A_1176 = arith.addf %concatenate3A_1167, %add3A_1175 : vector<3200x256xf32>
    %get3A_1177 = arith.constant 0 : index
    %get3A_1178 = arith.constant 0 : index
    %get3A_1179 = vector.load %arg11[%get3A_1177, %get3A_1178] : memref<384x256xf32, #tpu.memory_space<vmem>>, vector<384x256xf32>
    %dot_general3A_1180 = arith.constant dense<0.000000e+00> : vector<3200x384xf32>
    %dot_general3A_1181 = tpu.matmul %add3A_1176, %get3A_1179, %dot_general3A_1180 {dimension_numbers = #tpu.dot_dimension_numbers<[1], [1], [0], [0], [0, 0, 1, 0], [], []>, transpose_lhs_hint = false} : vector<3200x256xf32>, vector<384x256xf32>, vector<3200x384xf32> -> vector<3200x384xf32>
    %get3A_1182 = arith.constant 0 : index
    %get3A_1183 = arith.constant 0 : index
    %get3A_1184 = vector.load %arg13[%get3A_1182, %get3A_1183] : memref<1x384xf32, #tpu.memory_space<vmem>>, vector<1x384xf32>
    %add3A_1185 = vector.broadcast %get3A_1184 : vector<1x384xf32> to vector<3200x384xf32>
    %add3A_1186 = arith.addf %dot_general3A_1181, %add3A_1185 : vector<3200x384xf32>
    %get3A_1187 = arith.constant 0 : index
    %get3A_1188 = arith.constant 0 : index
    %get3A_1189 = vector.load %arg12[%get3A_1187, %get3A_1188] : memref<384x128xf32, #tpu.memory_space<vmem>>, vector<384x128xf32>
    %dot_general3A_1190 = arith.constant dense<0.000000e+00> : vector<3200x384xf32>
    %dot_general3A_1191 = tpu.matmul %add3A_60, %get3A_1189, %dot_general3A_1190 {dimension_numbers = #tpu.dot_dimension_numbers<[1], [1], [0], [0], [0, 0, 1, 0], [], []>, transpose_lhs_hint = false} : vector<3200x128xf32>, vector<384x128xf32>, vector<3200x384xf32> -> vector<3200x384xf32>
    %get3A_1192 = arith.constant 0 : index
    %get3A_1193 = arith.constant 0 : index
    %get3A_1194 = vector.load %arg14[%get3A_1192, %get3A_1193] : memref<1x384xf32, #tpu.memory_space<vmem>>, vector<1x384xf32>
    %add3A_1195 = vector.broadcast %get3A_1194 : vector<1x384xf32> to vector<3200x384xf32>
    %add3A_1196 = arith.addf %dot_general3A_1191, %add3A_1195 : vector<3200x384xf32>
    %slice3A_1197 = vector.extract_strided_slice %add3A_1186 {offsets = [0, 0], sizes = [3200, 128], strides = [1, 1]} : vector<3200x384xf32> to vector<3200x128xf32>
    %slice3A_1198 = vector.extract_strided_slice %add3A_1186 {offsets = [0, 128], sizes = [3200, 128], strides = [1, 1]} : vector<3200x384xf32> to vector<3200x128xf32>
    %slice3A_1199 = vector.extract_strided_slice %add3A_1186 {offsets = [0, 256], sizes = [3200, 128], strides = [1, 1]} : vector<3200x384xf32> to vector<3200x128xf32>
    %slice3A_1200 = vector.extract_strided_slice %add3A_1196 {offsets = [0, 0], sizes = [3200, 128], strides = [1, 1]} : vector<3200x384xf32> to vector<3200x128xf32>
    %slice3A_1201 = vector.extract_strided_slice %add3A_1196 {offsets = [0, 128], sizes = [3200, 128], strides = [1, 1]} : vector<3200x384xf32> to vector<3200x128xf32>
    %slice3A_1202 = vector.extract_strided_slice %add3A_1196 {offsets = [0, 256], sizes = [3200, 128], strides = [1, 1]} : vector<3200x384xf32> to vector<3200x128xf32>
    %add3A_1203 = arith.addf %slice3A_1197, %slice3A_1200 : vector<3200x128xf32>
    %logistic3A = arith.negf %add3A_1203 : vector<3200x128xf32>
    %logistic3A_1204 = math.exp %logistic3A : vector<3200x128xf32>
    %logistic3A_1205 = arith.constant 1.000000e+00 : f32
    %logistic3A_1206 = vector.broadcast %logistic3A_1205 : f32 to vector<3200x128xf32>
    %logistic3A_1207 = arith.addf %logistic3A_1206, %logistic3A_1204 : vector<3200x128xf32>
    %logistic3A_1208 = arith.divf %logistic3A_1206, %logistic3A_1207 : vector<3200x128xf32>
    %add3A_1209 = arith.addf %slice3A_1198, %slice3A_1201 : vector<3200x128xf32>
    %logistic3A_1210 = arith.negf %add3A_1209 : vector<3200x128xf32>
    %logistic3A_1211 = math.exp %logistic3A_1210 : vector<3200x128xf32>
    %logistic3A_1212 = arith.constant 1.000000e+00 : f32
    %logistic3A_1213 = vector.broadcast %logistic3A_1212 : f32 to vector<3200x128xf32>
    %logistic3A_1214 = arith.addf %logistic3A_1213, %logistic3A_1211 : vector<3200x128xf32>
    %logistic3A_1215 = arith.divf %logistic3A_1213, %logistic3A_1214 : vector<3200x128xf32>
    %mul3A_1216 = arith.mulf %logistic3A_1208, %slice3A_1202 : vector<3200x128xf32>
    %add3A_1217 = arith.addf %slice3A_1199, %mul3A_1216 : vector<3200x128xf32>
    %tanh3A = math.tanh %add3A_1217 : vector<3200x128xf32>
    %sub3A_1218 = arith.subf %add3A_60, %tanh3A : vector<3200x128xf32>
    %mul3A_1219 = arith.mulf %logistic3A_1215, %sub3A_1218 : vector<3200x128xf32>
    %add3A_1220 = arith.addf %tanh3A, %mul3A_1219 : vector<3200x128xf32>
    %reshape3A = vector.shape_cast %add3A_1220 : vector<3200x128xf32> to vector<64x50x128xf32>
    %swap3A = arith.constant 0 : index
    %swap3A_1221 = arith.constant 0 : index
    %swap3A_1222 = arith.constant 0 : index
    %swap3A_1223 = vector.load %arg17[%swap3A, %swap3A_1221, %swap3A_1222] : memref<64x50x128xf32, #tpu.memory_space<vmem>>, vector<64x50x128xf32>
    tpu.vector_store %arg17[%swap3A, %swap3A_1221, %swap3A_1222], %reshape3A {strides = array<i32>} : memref<64x50x128xf32, #tpu.memory_space<vmem>>, vector<64x50x128xf32>,
    return
  }
  func.func @transform_0(%arg0: i32) -> (i32, i32) {
    %c0_i32 = arith.constant 0 : i32
    %c0_i32_0 = arith.constant 0 : i32
    return %arg0, %c0_i32 : i32, i32
  }
  func.func @transform_1(%arg0: i32) -> (i32, i32) {
    %c0_i32 = arith.constant 0 : i32
    %c0_i32_0 = arith.constant 0 : i32
    %c0_i32_1 = arith.constant 0 : i32
    return %c0_i32, %c0_i32_0 : i32, i32
  }
  func.func @transform_2(%arg0: i32) -> (i32, i32, i32) {
    %c0_i32 = arith.constant 0 : i32
    %c0_i32_0 = arith.constant 0 : i32
    %c0_i32_1 = arith.constant 0 : i32
    return %arg0, %c0_i32, %c0_i32_0 : i32, i32, i32
  }
  func.func @transform_3(%arg0: i32) -> (i32, i32, i32) {
    %c0_i32 = arith.constant 0 : i32
    %c0_i32_0 = arith.constant 0 : i32
    %c0_i32_1 = arith.constant 0 : i32
    return %arg0, %c0_i32, %c0_i32_0 : i32, i32, i32
  }
  func.func @transform_4(%arg0: i32) -> (i32, i32) {
    %c0_i32 = arith.constant 0 : i32
    %c0_i32_0 = arith.constant 0 : i32
    %c0_i32_1 = arith.constant 0 : i32
    return %c0_i32, %c0_i32_0 : i32, i32
  }
  func.func @transform_5(%arg0: i32) -> (i32, i32) {
    %c0_i32 = arith.constant 0 : i32
    %c0_i32_0 = arith.constant 0 : i32
    %c0_i32_1 = arith.constant 0 : i32
    return %c0_i32, %c0_i32_0 : i32, i32
  }
  func.func @transform_6(%arg0: i32) -> (i32, i32) {
    %c0_i32 = arith.constant 0 : i32
    %c0_i32_0 = arith.constant 0 : i32
    %c0_i32_1 = arith.constant 0 : i32
    return %c0_i32, %c0_i32_0 : i32, i32
  }
  func.func @transform_7(%arg0: i32) -> (i32, i32) {
    %c0_i32 = arith.constant 0 : i32
    %c0_i32_0 = arith.constant 0 : i32
    %c0_i32_1 = arith.constant 0 : i32
    return %c0_i32, %c0_i32_0 : i32, i32
  }
  func.func @transform_8(%arg0: i32) -> (i32, i32) {
    %c0_i32 = arith.constant 0 : i32
    %c0_i32_0 = arith.constant 0 : i32
    %c0_i32_1 = arith.constant 0 : i32
    return %c0_i32, %c0_i32_0 : i32, i32
  }
  func.func @transform_9(%arg0: i32) -> (i32, i32) {
    %c0_i32 = arith.constant 0 : i32
    %c0_i32_0 = arith.constant 0 : i32
    %c0_i32_1 = arith.constant 0 : i32
    return %c0_i32, %c0_i32_0 : i32, i32
  }
  func.func @transform_10(%arg0: i32) -> (i32, i32) {
    %c0_i32 = arith.constant 0 : i32
    %c0_i32_0 = arith.constant 0 : i32
    %c0_i32_1 = arith.constant 0 : i32
    return %c0_i32, %c0_i32_0 : i32, i32
  }
  func.func @transform_11(%arg0: i32) -> (i32, i32) {
    %c0_i32 = arith.constant 0 : i32
    %c0_i32_0 = arith.constant 0 : i32
    %c0_i32_1 = arith.constant 0 : i32
    return %c0_i32, %c0_i32_0 : i32, i32
  }
  func.func @transform_12(%arg0: i32) -> (i32, i32) {
    %c0_i32 = arith.constant 0 : i32
    %c0_i32_0 = arith.constant 0 : i32
    %c0_i32_1 = arith.constant 0 : i32
    return %c0_i32, %c0_i32_0 : i32, i32
  }
  func.func @transform_13(%arg0: i32) -> (i32, i32) {
    %c0_i32 = arith.constant 0 : i32
    %c0_i32_0 = arith.constant 0 : i32
    %c0_i32_1 = arith.constant 0 : i32
    return %c0_i32, %c0_i32_0 : i32, i32
  }
  func.func @transform_14(%arg0: i32) -> (i32, i32) {
    %c0_i32 = arith.constant 0 : i32
    %c0_i32_0 = arith.constant 0 : i32
    %c0_i32_1 = arith.constant 0 : i32
    return %c0_i32, %c0_i32_0 : i32, i32
  }
  func.func @transform_15(%arg0: i32) -> (i32, i32) {
    %c0_i32 = arith.constant 0 : i32
    %c0_i32_0 = arith.constant 0 : i32
    %c0_i32_1 = arith.constant 0 : i32
    return %c0_i32, %c0_i32_0 : i32, i32
  }
  func.func @transform_16(%arg0: i32) -> (i32, i32, i32) {
    %c0_i32 = arith.constant 0 : i32
    %c0_i32_0 = arith.constant 0 : i32
    %c0_i32_1 = arith.constant 0 : i32
    return %arg0, %c0_i32, %c0_i32_0 : i32, i32, i32
  }
}

</mosaic_0001>

<sc_bundles>
// kernel: kernel.4.cloned.1.call-start
scs
__scs_entry_jumppad:
0x0: {  	(pc) =	sbr.rel $0x88, $3  }
0x1: {  	(tag) =	ssettag $0x0;
	lr =	simm.s32 $0x1  }
0x2: {  	[smem:$0x3F91] =	sst lr;
	_ =	strace $0xD0000000  }
0x3: {  	_ = 	snop  }
0x4: {  	_ = 	snop  }
0x5: {  	_ = 	snop  }
0x6: {  	_ = 	snop  }
0x7: {  	_ = 	snop  }
__scs_overlays_trampoline_lowered:
0x8: {  	[smem:$0x3FA0] =	sst s0  }
0x9: {  	[smem:$0x3FA1] =	sst s1  }
0xa: {  	[smem:$0x3FA2] =	sst s2  }
0xb: {  	[smem:$0x3FA3] =	sst s3  }
0xc: {  	[smem:$0x3FA4] =	sst s4  }
0xd: {  	[smem:$0x3FA5] =	sst s5  }
0xe: {  	[smem:$0x3FA6] =	sst s6  }
0xf: {  	[smem:$0x3FA7] =	sst s7  }
0x10: {  	[smem:$0x3FA8] =	sst s8  }
0x11: {  	[smem:$0x3FA9] =	sst s9;
	s0 =	simm.s32 @!p0 $0x0  }
0x12: {  	s1 =	sld [smem:$0x3F8F];
	s0 =	simm.s32 @p0 $0x1  }
0x13: {  	[smem:$0x3FAA] =	sst s0;
	s0 =	simm.s32 @!p1 $0x0  }
0x14: {  	s2 =	sld [smem:$0x3F8E];
	s0 =	simm.s32 @p1 $0x1  }
0x15: {  	[smem:$0x3FAB] =	sst s0;
	s0 =	simm.s32 @!p2 $0x0  }
0x16: {  	s3 =	sld [smem:$0x3FDB];
	s0 =	simm.s32 @p2 $0x1  }
0x17: {  	s4 =	simm.s32 $0x1BF5;
	[smem:$0x3FAD] =	sst s0  }
0x18: {  	s0 =	sld [smem:$0x3F90];
	_ =	swait.ge [sflag:s4], $0x0  }
0x19: {  	s7 =	sld [smem:$0x3F91]  }
0x1a: {  	s8 =	sadd.s32 $0xFFFFE003, lr  }
0x1b: {  	s9 =	sadd.s32 $0xFFFFFEF7, lr;
	s5 =	simm.s32 $0xFFFFFFFF;
	p2 =	slt.u32 s8, $0xFFFFF086  }
0x1c: {  	p1 =	slt.u32 s9, $0xF7A;
	s5 =	simm.s32 @!p2 $0x0  }
0x1d: {  	s5 =	simm.s32 @p1 $0x1;
	p0 =	seq.s32 s7, s2  }
0x1e: {  	s7 =	smul.u32 @!p0 $0xF7A, s2;
	p2 =	seq.s32 @!p0 s5, $0x0  }
0x1f: {  	s9 =	smul.u32 $0xF7A, s1;
	s8 =	simm.s32 @!p0 $0x1BF5;
	p2 =	por !p2, p0  }
0x20: {  	[sflag:s8] =	ssyncset.s32 @!p0 $0xFFFFF086;
	s6 =	sadd.s32 @!p0 s3, s7;
	s7 =	simm.s32 @!p0 $0x108  }
0x21: {  	s3 =	sadd.s32 s3, s9;
	s6 =	sadd.s32 @!p0 $0x88, s6;
	s7 =	simm.s32 @p2 $0x1082  }
0x22: {  	[simem:s7], [sflag:s8] =	dma.local @!p0 [hbm:s6], $0xF7A  }
0x23: {  	s9 =	sor.u32 $0xD0000000, s2;
	s6 =	simm.s32 $0x108;
	_ =	swait.ge @!p0 [sflag:s8], $0x0  }
0x24: {  	s3 =	sadd.s32 $0x88, s3;
	s6 =	simm.s32 @!p1 $0x1082;
	[sflag:s4] =	ssyncset.s32 $0xFFFFF086  }
0x25: {  	[simem:s6], [sflag:s4] =	dma.local [hbm:s3], $0xF7A  }
0x26: {  	[smem:$0x3F91] =	sst s1;
	(tag) =	ssettag s2;
	_ =	strace s9  }
0x27: {  	s1 =	sld [smem:$0x3FA1]  }
0x28: {  	s2 =	sld [smem:$0x3FA2]  }
0x29: {  	s4 =	sld [smem:$0x3FA4]  }
0x2a: {  	p0 =	seq.s32 s5, $0x0;
	s5 =	sld [smem:$0x3FA5]  }
0x2b: {  	s6 =	sld [smem:$0x3FA6]  }
0x2c: {  	s7 =	sld [smem:$0x3FA7]  }
0x2d: {  	s3 =	simm.s32 $0x108;
	s8 =	sld [smem:$0x3FA8]  }
0x2e: {  	s3 =	simm.s32 @!p0 $0x1082;
	s9 =	sld [smem:$0x3FA9]  }
0x2f: {  	lr =	sadd.s32 s0, s3;
	s0 =	sld [smem:$0x3FA0]  }
0x30: {  	s3 =	sld [smem:$0x3FA3]  }
0x31: {  	[smem:$0x3FAC] =	sst s10  }
0x32: {  	s10 =	sld [smem:$0x3FAA];
	_ =	sdelay $0x3  }
0x33: {  	p0 =	seq.s32 s10, $0x1;
	s10 =	sld [smem:$0x3FAC];
	_ =	sdelay $0x3  }
0x34: {  	[smem:$0x3FAC] =	sst s10  }
0x35: {  	s10 =	sld [smem:$0x3FAB];
	_ =	sdelay $0x3  }
0x36: {  	p1 =	seq.s32 s10, $0x1;
	s10 =	sld [smem:$0x3FAC];
	_ =	sdelay $0x3  }
0x37: {  	[smem:$0x3FAC] =	sst s10  }
0x38: {  	s10 =	sld [smem:$0x3FAD]  }
0x39: {  	_ = 	snop;
	(pc) =	sbr.ind lr, $3  }
0x3a: {  	_ = 	snop  }
0x3b: {  	_ = 	snop  }
0x3c: {  	p2 =	seq.s32 s10, $0x1;
	s10 =	sld [smem:$0x3FAC]  }
0x3d: {  	_ =	shalt  }
0x3e: {  	_ =	shalt  }
0x3f: {  	_ =	shalt  }
0x40: {  	_ =	shalt  }
0x41: {  	_ =	shalt  }
0x42: {  	_ =	shalt  }
0x43: {  	_ =	shalt  }
0x44: {  	_ =	shalt  }
0x45: {  	_ =	shalt  }
0x46: {  	_ =	shalt  }
0x47: {  	_ =	shalt  }
0x48: {  	_ =	shalt  }
0x49: {  	_ =	shalt  }
0x4a: {  	_ =	shalt  }
0x4b: {  	_ =	shalt  }
0x4c: {  	_ =	shalt  }
0x4d: {  	_ =	shalt  }
0x4e: {  	_ =	shalt  }
0x4f: {  	_ =	shalt  }
0x50: {  	_ =	shalt  }
0x51: {  	_ =	shalt  }
0x52: {  	_ =	shalt  }
0x53: {  	_ =	shalt  }
0x54: {  	_ =	shalt  }
0x55: {  	_ =	shalt  }
0x56: {  	_ =	shalt  }
0x57: {  	_ =	shalt  }
0x58: {  	_ =	shalt  }
0x59: {  	_ =	shalt  }
0x5a: {  	_ =	shalt  }
0x5b: {  	_ =	shalt  }
0x5c: {  	_ =	shalt  }
0x5d: {  	_ =	shalt  }
0x5e: {  	_ =	shalt  }
0x5f: {  	_ =	shalt  }
0x60: {  	_ =	shalt  }
0x61: {  	_ =	shalt  }
0x62: {  	_ =	shalt  }
0x63: {  	_ =	shalt  }
0x64: {  	_ =	shalt  }
0x65: {  	_ =	shalt  }
0x66: {  	_ =	shalt  }
0x67: {  	_ =	shalt  }
0x68: {  	_ =	shalt  }
0x69: {  	_ =	shalt  }
0x6a: {  	_ =	shalt  }
0x6b: {  	_ =	shalt  }
0x6c: {  	_ =	shalt  }
0x6d: {  	_ =	shalt  }
0x6e: {  	_ =	shalt  }
0x6f: {  	_ =	shalt  }
0x70: {  	_ =	shalt  }
0x71: {  	_ =	shalt  }
0x72: {  	_ =	shalt  }
0x73: {  	_ =	shalt  }
0x74: {  	_ =	shalt  }
0x75: {  	_ =	shalt  }
0x76: {  	_ =	shalt  }
0x77: {  	_ =	shalt  }
0x78: {  	_ =	shalt  }
0x79: {  	_ =	shalt  }
0x7a: {  	_ =	shalt  }
0x7b: {  	_ =	shalt  }
0x7c: {  	_ =	shalt  }
0x7d: {  	_ =	shalt  }
0x7e: {  	_ =	shalt  }
0x7f: {  	_ =	shalt  }
0x80: {  	_ =	shalt  }
0x81: {  	_ =	shalt  }
0x82: {  	_ =	shalt  }
0x83: {  	_ =	shalt  }
0x84: {  	_ =	shalt  }
0x85: {  	_ =	shalt  }
0x86: {  	_ =	shalt  }
0x87: {  	_ =	shalt  }
.Lfunc_end0:
.L_simem_size_0:
called_computation_lowered:
.L_overlay_start_0:
0x88: {  	s2 =	sld [smem:$0x3FD9]  }
0x89: {  	s3 =	sld [smem:$0x3FFE];
	_ =	sdelay $0x1  }
0x8a: {  	s1 =	srdreg.scid  }
0x8b: {  	s0 =	sand.u32 $0x1, s1  }
0x8c: {  	s17 =	sshll.u32 s0, $0xA;
	s2 =	sadd.s32 s3, s2  }
0x8d: {  	s2 =	sadd.s32 s2, s17  }
0x8e: {  	[smem:$0x3FB8] =	sst s2  }
0x8f: {  	_ = 	snop  }
0x90: {  	s2 =	sld [smem:$0x3FD0];
	(tm) =	ssettm $0x1  }
0x91: {  	s18 =	sld [smem:$0x3FFB];
	_ =	sdelay $0x3  }
0x92: {  	_ =	strace s18  }
0x93: {  	s3 =	sld [smem:$0x3FFC];
	_ =	sdelay $0x3  }
0x94: {  	_ =	strace s3  }
0x95: {  	s3 =	sld [smem:$0x3FFD];
	_ =	sdelay $0x3  }
0x96: {  	_ =	strace s3  }
0x97: {  	_ =	strace $0x8FFFFFFF  }
0x98: {  	s19 =	sld [smem:$0x3FDB];
	_ =	sdelay $0x1  }
0x99: {  	s4 =	simm.s32 $_scs_section_size  }
0x9a: {  	s5 =	simm.s32 $_size__tile_overlayer_lowered;
	s6 =	simm.s32 $_tile_overlayer_lowered  }
0x9b: {  	s22 =	simm.s32 $0x1BFF;
	s21 =	sshll.u32 s6, $0x1;
	s3 =	sadd.s32 s4, s19  }
0x9c: {  	s7 =	simm.s32 $0x0;
	s20 =	sshll.u32 s5, $0x1;
	s5 =	sadd.s32 s21, s3  }
0x9d: {  	[timem:s7], [sflag:s22] =	dma.local [hbm:s5], s20  }
0x9e: {  	_ =	swait.ge [sflag:s22], s20  }
0x9f: {  	s4 =	ssub.s32 $0x0, s20;
	[sflag:s22] =	ssyncset.done $0x0  }
0xa0: {  	[sflag:s22] =	ssyncadd.s32 s4;
	_ =	sdelay $0x1  }
0xa1: {  	s23 =	simm.s32 $0x1B8B  }
0xa2: {  	_ =	swait.ge [sflag:s23], $0x1  }
0xa3: {  	[sflag:s23] =	ssyncset.done $0x0  }
0xa4: {  	s25 =	simm.s32 $0x1B8E;
	s24 =	sld [smem:$0x3FFE];
	[sflag:s23] =	ssyncadd.s32 $0xFFFFFFFF  }
0xa5: {  	s26 =	simm.s32 $execute0_lowered;
	[smem:$0x3FD2] =	sst s25  }
0xa6: {  	s5 =	sshll.u32 s26, $0x1;
	_ =	strace $0x80000046;
	[dreg:$0x1] =	wrdreg $0xFFFFFFFF  }
0xa7: {  	s28 =	simm.s32 $_size_execute0_lowered;
	s3 =	sadd.s32 s3, s5;
	[dreg:$0x0] =	wrdreg $0x0  }
0xa8: {  	s5 =	sshll.u32 s28, $0x1;
	[dreg:$0x2] =	wrdreg s3  }
0xa9: {  	[dreg:$0x3] =	wrdreg s5  }
0xaa: {  	[dreg:$0x4] =	wrdreg $0xC0  }
0xab: {  	_ =	task [dreg:s7], $0x5FFFF  }
0xac: {  	[dreg:$0x1] =	wrdreg $0xFFFFFFFF  }
0xad: {  	[dreg:$0x0] =	wrdreg $0x60  }
0xae: {  	[dreg:$0x2] =	wrdreg s24  }
0xaf: {  	[dreg:$0x3] =	wrdreg s2  }
0xb0: {  	[dreg:$0x4] =	wrdreg $0x9  }
0xb1: {  	_ =	task.clear_ibuf [dreg:s7], $0x5FFFF;
	_ =	strace $0x90000046  }
0xb2: {  	s29 =	simm.s32 $0x9;
	_ =	strace $0x80000048  }
0xb3: {  	_ =	swait.ge [sflag:s29], $0x1  }
0xb4: {  	[sflag:s29] =	ssyncadd.s32 $0xFFFFFFFF  }
0xb5: {  	_ =	strace $0x90000048  }
0xb6: {  	_ =	sfence  }
0xb7: {  	s30 =	sld [smem:$0x0];
	_ =	sdelay $0x2  }
0xb8: {  	s31 =	sshll.u32 s1, $0xD;
	s1 =	sshrl.u32 s1, $0x2  }
0xb9: {  	s3 =	sand.u32 $0x4000, s31;
	s1 =	sadd.s32 s1, s30  }
0xba: {  	s0 =	sor.u32 s3, s0;
	s1 =	sshll.u32 s1, $0x11  }
0xbb: {  	s0 =	sor.u32 s1, s0  }
0xbc: {  	s0 =	sadd.s32 $0x8F2B, s0  }
0xbd: {  	[sflag:s0] =	ssyncadd.remote.s32 $0x1  }
0xbe: {  	_ =	sfence.sel $0xFFFF  }
0xbf: {  	[dreg:$0x0] =	wrdreg $0xFFFFFFFF;
	(pc) =	sbr.abs _section_cstart, $3  }
0xc0: {  	[dreg:$0x1] =	wrdreg $0xFFFFFFFF  }
0xc1: {  	_ =	task.clear_ibuf [dreg:s7], $0x2FFFF;
	_ =	strace $0x9FFFFFFF  }
0xc2: {  	(tm) =	ssettm $0x7FFFFFFF  }
0xc3: {  	_ =	shalt  }
tec
execute0_lowered:
.L_overlay_start_1:
0x0: {  	(tag) =	ssettag $0x1  }
0x1: {  	s0 =	srdreg.scid;
	s1 =	rddreg [dreg:$0x0]  }
0x2: {  	s2 =	stileid.u32;
	s3 =	rddreg [dreg:$0x1];
	s7 =	simm.s32 $0x80  }
0x3: {  	s26 =	simm.s32 $0x2640;
	s8 =	simm.s32 $0x100;
	s9 =	simm.s32 $0x4640  }
0x4: {  	s10 =	simm.s32 $0x180;
	s11 =	simm.s32 $0x6640;
	s12 =	simm.s32 $0x200  }
0x5: {  	s13 =	simm.s32 $0x8640;
	s14 =	simm.s32 $0x280;
	s15 =	simm.s32 $0xA640  }
0x6: {  	s16 =	simm.s32 $0x300;
	s17 =	simm.s32 $0xC640;
	s18 =	simm.s32 $0x380  }
0x7: {  	s19 =	simm.s32 $0xE640;
	s20 =	simm.s32 $0x400;
	s21 =	simm.s32 $0x10640  }
0x8: {  	s22 =	simm.s32 $0x480;
	s23 =	simm.s32 $0x12640;
	s24 =	simm.s32 $0x500  }
0x9: {  	p0 =	por $0x0, $0x0;
	s0 =	sand.u32 $0x1, s0;
	s2 =	sshll.u32 s2, $0x1  }
0xa: {  	s28 =	simm.s32 $0x16640;
	s4 =	sor.u32 s0, s2;
	s0 =	ssub.s32 $0x2, s0  }
0xb: {  	s29 =	simm.s32 $0x40;
	s30 =	simm.s32 $0x600;
	s6 =	sshrl.u32 s0, $0x1  }
0xc: {  	s31 =	simm.s32 $0x18640;
	s2 =	simm.s32 $0x0;
	s0 =	ssub.s32 s0, s6  }
0xd: {  	s5 =	smul.u32 $0x3200, s4;
	[smem:$0x7FF] =	sst s2;
	s0 =	smax.u32 s0, $0x1  }
0xe: {  	s4 =	smul.u32 $0xC8, s4;
	_ =	strace $0x80000047;
	p1 =	sne.s32 s0, $0x1  }
.Ltmp0:
0xf: {  	s6 =	sadd.s32 $0xF44800, s1;
	[dreg:$0x5] =	wrdreg s26;
	(pc) =	sbr.rel @!p1 .LBB2_3-.Ltmp0, $4  }
0x10: {  	s26 =	simm.s32 $0x580;
	s5 =	sadd.s32 s5, s1;
	s3 =	sadd.s32 s3, s4  }
0x11: {  	s4 =	simm.s32 $0x640;
	[dreg:$0x3] =	wrdreg s3;
	s25 =	sadd.s32 $0x2400, s5  }
0x12: {  	s3 =	simm.s32 $0x2;
	s1 =	sadd.s32 $0xFFFFFFFF, s0;
	[dreg:$0x4] =	wrdreg s25  }
0x13: {  	s5 =	simm.s32 $0x1;
	s25 =	simm.s32 $0x14640;
	s0 =	rddreg [dreg:$0x3]  }
0x14: {  	[tilespmem:s2], [sflag:$0x2] =	stream.linear.gather [hbm4b:s0+s2], $0x640, $0x38;
	[tilespmem:$0x19640] =	vst v63  }
0x15: {  	_ =	swait.ge [sflag:s3], $0x640  }
0x16: {  	[sflag:s3] =	ssyncset.done $0x0  }
0x17: {  	[sflag:s3] =	ssyncadd.s32 $0xFFFFF9C0  }
0x18: {  	[tilespmem:s4], [sflag:$0x1] =	stream.indirect.gather [hbm4b:s6+s7], $0x40, s2, s7, $0xb8;
	[tilespmem:$0x19640] =	vst v63  }
0x19: {  	s0 =	rddreg [dreg:$0x5]  }
0x1a: {  	[tilespmem:s0], [sflag:$0x1] =	stream.indirect.gather [hbm4b:s6+s7], $0x40, s7, s7, $0xb8;
	[tilespmem:$0x19640] =	vst v63  }
0x1b: {  	_ = 	snop  }
0x1c: {  	[tilespmem:s9], [sflag:$0x1] =	stream.indirect.gather [hbm4b:s6+s7], $0x40, s8, s7, $0xb8;
	[tilespmem:$0x19640] =	vst v63  }
0x1d: {  	_ = 	snop  }
0x1e: {  	[tilespmem:s11], [sflag:$0x1] =	stream.indirect.gather [hbm4b:s6+s7], $0x40, s10, s7, $0xb8;
	[tilespmem:$0x19640] =	vst v63  }
0x1f: {  	_ = 	snop  }
0x20: {  	[tilespmem:s13], [sflag:$0x1] =	stream.indirect.gather [hbm4b:s6+s7], $0x40, s12, s7, $0xb8;
	[tilespmem:$0x19640] =	vst v63  }
0x21: {  	_ = 	snop  }
0x22: {  	[tilespmem:s15], [sflag:$0x1] =	stream.indirect.gather [hbm4b:s6+s7], $0x40, s14, s7, $0xb8;
	[tilespmem:$0x19640] =	vst v63  }
0x23: {  	_ = 	snop  }
0x24: {  	[tilespmem:s17], [sflag:$0x1] =	stream.indirect.gather [hbm4b:s6+s7], $0x40, s16, s7, $0xb8;
	[tilespmem:$0x19640] =	vst v63  }
0x25: {  	_ = 	snop  }
0x26: {  	[tilespmem:s19], [sflag:$0x1] =	stream.indirect.gather [hbm4b:s6+s7], $0x40, s18, s7, $0xb8;
	[tilespmem:$0x19640] =	vst v63  }
0x27: {  	_ = 	snop  }
0x28: {  	[tilespmem:s21], [sflag:$0x1] =	stream.indirect.gather [hbm4b:s6+s7], $0x40, s20, s7, $0xb8;
	[tilespmem:$0x19640] =	vst v63  }
0x29: {  	_ = 	snop  }
0x2a: {  	[tilespmem:s23], [sflag:$0x1] =	stream.indirect.gather [hbm4b:s6+s7], $0x40, s22, s7, $0xb8;
	[tilespmem:$0x19640] =	vst v63  }
0x2b: {  	_ = 	snop  }
0x2c: {  	[tilespmem:s25], [sflag:$0x1] =	stream.indirect.gather [hbm4b:s6+s7], $0x40, s24, s7, $0xb8;
	[tilespmem:$0x19640] =	vst v63  }
0x2d: {  	_ = 	snop  }
0x2e: {  	[tilespmem:s28], [sflag:$0x1] =	stream.indirect.gather [hbm4b:s6+s7], $0x40, s26, s7, $0xb8;
	[tilespmem:$0x19640] =	vst v63  }
0x2f: {  	_ = 	snop  }
0x30: {  	[tilespmem:s31], [sflag:$0x1] =	stream.indirect.gather [hbm4b:s6+s29], $0x40, s30, s29, $0xb8;
	[tilespmem:$0x19640] =	vst v63  }
0x31: {  	_ =	swait.ge [sflag:s5], $0x2000  }
0x32: {  	[sflag:s5] =	ssyncset.done $0x0  }
0x33: {  	[sflag:s5] =	ssyncadd.s32 $0xFFFFE000  }
0x34: {  	_ =	swait.ge [sflag:s5], $0x2000  }
0x35: {  	[sflag:s5] =	ssyncset.done $0x0  }
0x36: {  	[sflag:s5] =	ssyncadd.s32 $0xFFFFE000  }
0x37: {  	_ =	swait.ge [sflag:s5], $0x2000  }
0x38: {  	[sflag:s5] =	ssyncset.done $0x0  }
0x39: {  	[sflag:s5] =	ssyncadd.s32 $0xFFFFE000  }
0x3a: {  	_ =	swait.ge [sflag:s5], $0x2000  }
0x3b: {  	[sflag:s5] =	ssyncset.done $0x0  }
0x3c: {  	[sflag:s5] =	ssyncadd.s32 $0xFFFFE000  }
0x3d: {  	_ =	swait.ge [sflag:s5], $0x2000  }
0x3e: {  	[sflag:s5] =	ssyncset.done $0x0  }
0x3f: {  	[sflag:s5] =	ssyncadd.s32 $0xFFFFE000  }
0x40: {  	_ =	swait.ge [sflag:s5], $0x2000  }
0x41: {  	[sflag:s5] =	ssyncset.done $0x0  }
0x42: {  	[sflag:s5] =	ssyncadd.s32 $0xFFFFE000  }
0x43: {  	_ =	swait.ge [sflag:s5], $0x2000  }
0x44: {  	[sflag:s5] =	ssyncset.done $0x0  }
0x45: {  	[sflag:s5] =	ssyncadd.s32 $0xFFFFE000  }
0x46: {  	_ =	swait.ge [sflag:s5], $0x2000  }
0x47: {  	[sflag:s5] =	ssyncset.done $0x0  }
0x48: {  	[sflag:s5] =	ssyncadd.s32 $0xFFFFE000  }
0x49: {  	_ =	swait.ge [sflag:s5], $0x2000  }
0x4a: {  	[sflag:s5] =	ssyncset.done $0x0  }
0x4b: {  	[sflag:s5] =	ssyncadd.s32 $0xFFFFE000  }
0x4c: {  	_ =	swait.ge [sflag:s5], $0x2000  }
0x4d: {  	[sflag:s5] =	ssyncset.done $0x0  }
0x4e: {  	[sflag:s5] =	ssyncadd.s32 $0xFFFFE000  }
0x4f: {  	_ =	swait.ge [sflag:s5], $0x2000  }
0x50: {  	[sflag:s5] =	ssyncset.done $0x0  }
0x51: {  	[sflag:s5] =	ssyncadd.s32 $0xFFFFE000  }
0x52: {  	_ =	swait.ge [sflag:s5], $0x2000  }
0x53: {  	[sflag:s5] =	ssyncset.done $0x0  }
0x54: {  	[sflag:s5] =	ssyncadd.s32 $0xFFFFE000  }
0x55: {  	p1 =	sne.s32 s1, $0x1;
	_ =	swait.ge [sflag:s5], $0x1000  }
.Ltmp1:
0x56: {  	[sflag:s5] =	ssyncset.done $0x0;
	(pc) =	sbr.rel @!p1 .LBB2_3-.Ltmp1, $4  }
0x57: {  	s0 =	rddreg [dreg:$0x4];
	[sflag:s5] =	ssyncadd.s32 $0xFFFFF000  }
0x58: {  	[hbm4b:s0+s2] =	stream.linear.scatter [tilespmem:s4], [sflag:$0x2], $0x19000, $0x38;
	[tilespmem:$0x19640] =	vst v63  }
0x59: {  	s1 =	sadd.s32 $0xFFFFFFFF, s1;
	_ =	swait.ge [sflag:s3], $0x19000  }
0x5a: {  	p0 =	por $0x1, $0x1;
	s0 =	rddreg [dreg:$0x3];
	[sflag:s3] =	ssyncset.done $0x0  }
.LBB2_2:
0x5b: {  	[sflag:s3] =	ssyncadd.s32 $0xFFFE7000  }
0x5c: {  	[tilespmem:s2], [sflag:$0x2] =	stream.linear.gather [hbm4b:s0+s2], $0x640, $0x38;
	[tilespmem:$0x19640] =	vst v63  }
0x5d: {  	_ =	swait.ge [sflag:s3], $0x640  }
0x5e: {  	[sflag:s3] =	ssyncset.done $0x0  }
0x5f: {  	[sflag:s3] =	ssyncadd.s32 $0xFFFFF9C0  }
0x60: {  	[tilespmem:s4], [sflag:$0x1] =	stream.indirect.gather [hbm4b:s6+s7], $0x40, s2, s7, $0xb8;
	[tilespmem:$0x19640] =	vst v63  }
0x61: {  	s0 =	rddreg [dreg:$0x5]  }
0x62: {  	[tilespmem:s0], [sflag:$0x1] =	stream.indirect.gather [hbm4b:s6+s7], $0x40, s7, s7, $0xb8;
	[tilespmem:$0x19640] =	vst v63  }
0x63: {  	_ = 	snop  }
0x64: {  	[tilespmem:s9], [sflag:$0x1] =	stream.indirect.gather [hbm4b:s6+s7], $0x40, s8, s7, $0xb8;
	[tilespmem:$0x19640] =	vst v63  }
0x65: {  	_ = 	snop  }
0x66: {  	[tilespmem:s11], [sflag:$0x1] =	stream.indirect.gather [hbm4b:s6+s7], $0x40, s10, s7, $0xb8;
	[tilespmem:$0x19640] =	vst v63  }
0x67: {  	_ = 	snop  }
0x68: {  	[tilespmem:s13], [sflag:$0x1] =	stream.indirect.gather [hbm4b:s6+s7], $0x40, s12, s7, $0xb8;
	[tilespmem:$0x19640] =	vst v63  }
0x69: {  	_ = 	snop  }
0x6a: {  	[tilespmem:s15], [sflag:$0x1] =	stream.indirect.gather [hbm4b:s6+s7], $0x40, s14, s7, $0xb8;
	[tilespmem:$0x19640] =	vst v63  }
0x6b: {  	_ = 	snop  }
0x6c: {  	[tilespmem:s17], [sflag:$0x1] =	stream.indirect.gather [hbm4b:s6+s7], $0x40, s16, s7, $0xb8;
	[tilespmem:$0x19640] =	vst v63  }
0x6d: {  	_ = 	snop  }
0x6e: {  	[tilespmem:s19], [sflag:$0x1] =	stream.indirect.gather [hbm4b:s6+s7], $0x40, s18, s7, $0xb8;
	[tilespmem:$0x19640] =	vst v63  }
0x6f: {  	_ = 	snop  }
0x70: {  	[tilespmem:s21], [sflag:$0x1] =	stream.indirect.gather [hbm4b:s6+s7], $0x40, s20, s7, $0xb8;
	[tilespmem:$0x19640] =	vst v63  }
0x71: {  	_ = 	snop  }
0x72: {  	[tilespmem:s23], [sflag:$0x1] =	stream.indirect.gather [hbm4b:s6+s7], $0x40, s22, s7, $0xb8;
	[tilespmem:$0x19640] =	vst v63  }
0x73: {  	_ = 	snop  }
0x74: {  	[tilespmem:s25], [sflag:$0x1] =	stream.indirect.gather [hbm4b:s6+s7], $0x40, s24, s7, $0xb8;
	[tilespmem:$0x19640] =	vst v63  }
0x75: {  	_ = 	snop  }
0x76: {  	[tilespmem:s28], [sflag:$0x1] =	stream.indirect.gather [hbm4b:s6+s7], $0x40, s26, s7, $0xb8;
	[tilespmem:$0x19640] =	vst v63  }
0x77: {  	_ = 	snop  }
0x78: {  	[tilespmem:s31], [sflag:$0x1] =	stream.indirect.gather [hbm4b:s6+s29], $0x40, s30, s29, $0xb8;
	[tilespmem:$0x19640] =	vst v63  }
0x79: {  	_ =	swait.ge [sflag:s5], $0x2000  }
0x7a: {  	[sflag:s5] =	ssyncset.done $0x0  }
0x7b: {  	[sflag:s5] =	ssyncadd.s32 $0xFFFFE000  }
0x7c: {  	_ =	swait.ge [sflag:s5], $0x2000  }
0x7d: {  	[sflag:s5] =	ssyncset.done $0x0  }
0x7e: {  	[sflag:s5] =	ssyncadd.s32 $0xFFFFE000  }
0x7f: {  	_ =	swait.ge [sflag:s5], $0x2000  }
0x80: {  	[sflag:s5] =	ssyncset.done $0x0  }
0x81: {  	[sflag:s5] =	ssyncadd.s32 $0xFFFFE000  }
0x82: {  	_ =	swait.ge [sflag:s5], $0x2000  }
0x83: {  	[sflag:s5] =	ssyncset.done $0x0  }
0x84: {  	[sflag:s5] =	ssyncadd.s32 $0xFFFFE000  }
0x85: {  	_ =	swait.ge [sflag:s5], $0x2000  }
0x86: {  	[sflag:s5] =	ssyncset.done $0x0  }
0x87: {  	[sflag:s5] =	ssyncadd.s32 $0xFFFFE000  }
0x88: {  	_ =	swait.ge [sflag:s5], $0x2000  }
0x89: {  	[sflag:s5] =	ssyncset.done $0x0  }
0x8a: {  	[sflag:s5] =	ssyncadd.s32 $0xFFFFE000  }
0x8b: {  	_ =	swait.ge [sflag:s5], $0x2000  }
0x8c: {  	[sflag:s5] =	ssyncset.done $0x0  }
0x8d: {  	[sflag:s5] =	ssyncadd.s32 $0xFFFFE000  }
0x8e: {  	_ =	swait.ge [sflag:s5], $0x2000  }
0x8f: {  	[sflag:s5] =	ssyncset.done $0x0  }
0x90: {  	[sflag:s5] =	ssyncadd.s32 $0xFFFFE000  }
0x91: {  	_ =	swait.ge [sflag:s5], $0x2000  }
0x92: {  	[sflag:s5] =	ssyncset.done $0x0  }
0x93: {  	[sflag:s5] =	ssyncadd.s32 $0xFFFFE000  }
0x94: {  	_ =	swait.ge [sflag:s5], $0x2000  }
0x95: {  	[sflag:s5] =	ssyncset.done $0x0  }
0x96: {  	[sflag:s5] =	ssyncadd.s32 $0xFFFFE000  }
0x97: {  	_ =	swait.ge [sflag:s5], $0x2000  }
0x98: {  	[sflag:s5] =	ssyncset.done $0x0  }
0x99: {  	[sflag:s5] =	ssyncadd.s32 $0xFFFFE000  }
0x9a: {  	_ =	swait.ge [sflag:s5], $0x2000  }
0x9b: {  	[sflag:s5] =	ssyncset.done $0x0  }
0x9c: {  	[sflag:s5] =	ssyncadd.s32 $0xFFFFE000  }
0x9d: {  	p1 =	sne.s32 s1, $0x1;
	_ =	swait.ge [sflag:s5], $0x1000  }
.Ltmp2:
0x9e: {  	[sflag:s5] =	ssyncset.done $0x0;
	(pc) =	sbr.rel @p1 .LBB2_2-.Ltmp2, $4  }
0x9f: {  	s0 =	rddreg [dreg:$0x4];
	[sflag:s5] =	ssyncadd.s32 $0xFFFFF000  }
0xa0: {  	[hbm4b:s0+s2] =	stream.linear.scatter [tilespmem:s4], [sflag:$0x2], $0x19000, $0x38;
	[tilespmem:$0x19640] =	vst v63  }
0xa1: {  	_ =	swait.ge [sflag:s3], $0x19000  }
0xa2: {  	s1 =	sadd.s32 $0xFFFFFFFF, s1;
	s0 =	rddreg [dreg:$0x3];
	[sflag:s3] =	ssyncset.done $0x0  }
.LBB2_3:
0xa3: {  	[sflag:s3] =	ssyncadd.s32 @p0 $0xFFFE7000  }
0xa4: {  	[tilespmem:s2], [sflag:$0x2] =	stream.linear.gather [hbm4b:s0+s2], $0x640, $0x38;
	[tilespmem:$0x19640] =	vst v63  }
0xa5: {  	_ =	swait.ge [sflag:s3], $0x640  }
0xa6: {  	[sflag:s3] =	ssyncset.done $0x0  }
0xa7: {  	[sflag:s3] =	ssyncadd.s32 $0xFFFFF9C0  }
0xa8: {  	[tilespmem:s4], [sflag:$0x1] =	stream.indirect.gather [hbm4b:s6+s7], $0x40, s2, s7, $0xb8;
	[tilespmem:$0x19640] =	vst v63  }
0xa9: {  	s1 =	rddreg [dreg:$0x5]  }
0xaa: {  	[tilespmem:s1], [sflag:$0x1] =	stream.indirect.gather [hbm4b:s6+s7], $0x40, s7, s7, $0xb8;
	[tilespmem:$0x19640] =	vst v63  }
0xab: {  	_ = 	snop  }
0xac: {  	[tilespmem:s9], [sflag:$0x1] =	stream.indirect.gather [hbm4b:s6+s7], $0x40, s8, s7, $0xb8;
	[tilespmem:$0x19640] =	vst v63  }
0xad: {  	_ = 	snop  }
0xae: {  	[tilespmem:s11], [sflag:$0x1] =	stream.indirect.gather [hbm4b:s6+s7], $0x40, s10, s7, $0xb8;
	[tilespmem:$0x19640] =	vst v63  }
0xaf: {  	_ = 	snop  }
0xb0: {  	[tilespmem:s13], [sflag:$0x1] =	stream.indirect.gather [hbm4b:s6+s7], $0x40, s12, s7, $0xb8;
	[tilespmem:$0x19640] =	vst v63  }
0xb1: {  	_ = 	snop  }
0xb2: {  	[tilespmem:s15], [sflag:$0x1] =	stream.indirect.gather [hbm4b:s6+s7], $0x40, s14, s7, $0xb8;
	[tilespmem:$0x19640] =	vst v63  }
0xb3: {  	_ = 	snop  }
0xb4: {  	[tilespmem:s17], [sflag:$0x1] =	stream.indirect.gather [hbm4b:s6+s7], $0x40, s16, s7, $0xb8;
	[tilespmem:$0x19640] =	vst v63  }
0xb5: {  	_ = 	snop  }
0xb6: {  	[tilespmem:s19], [sflag:$0x1] =	stream.indirect.gather [hbm4b:s6+s7], $0x40, s18, s7, $0xb8;
	[tilespmem:$0x19640] =	vst v63  }
0xb7: {  	_ = 	snop  }
0xb8: {  	[tilespmem:s21], [sflag:$0x1] =	stream.indirect.gather [hbm4b:s6+s7], $0x40, s20, s7, $0xb8;
	[tilespmem:$0x19640] =	vst v63  }
0xb9: {  	_ = 	snop  }
0xba: {  	[tilespmem:s23], [sflag:$0x1] =	stream.indirect.gather [hbm4b:s6+s7], $0x40, s22, s7, $0xb8;
	[tilespmem:$0x19640] =	vst v63  }
0xbb: {  	_ = 	snop  }
0xbc: {  	[tilespmem:s25], [sflag:$0x1] =	stream.indirect.gather [hbm4b:s6+s7], $0x40, s24, s7, $0xb8;
	[tilespmem:$0x19640] =	vst v63  }
0xbd: {  	_ = 	snop  }
0xbe: {  	[tilespmem:s28], [sflag:$0x1] =	stream.indirect.gather [hbm4b:s6+s7], $0x40, s26, s7, $0xb8;
	[tilespmem:$0x19640] =	vst v63  }
0xbf: {  	_ = 	snop  }
0xc0: {  	[tilespmem:s31], [sflag:$0x1] =	stream.indirect.gather [hbm4b:s6+s29], $0x40, s30, s29, $0xb8;
	[tilespmem:$0x19640] =	vst v63  }
0xc1: {  	_ =	swait.ge [sflag:s5], $0x2000  }
0xc2: {  	[sflag:s5] =	ssyncset.done $0x0  }
0xc3: {  	[sflag:s5] =	ssyncadd.s32 $0xFFFFE000  }
0xc4: {  	_ =	swait.ge [sflag:s5], $0x2000  }
0xc5: {  	[sflag:s5] =	ssyncset.done $0x0  }
0xc6: {  	[sflag:s5] =	ssyncadd.s32 $0xFFFFE000  }
0xc7: {  	_ =	swait.ge [sflag:s5], $0x2000  }
0xc8: {  	[sflag:s5] =	ssyncset.done $0x0  }
0xc9: {  	[sflag:s5] =	ssyncadd.s32 $0xFFFFE000  }
0xca: {  	_ =	swait.ge [sflag:s5], $0x2000  }
0xcb: {  	[sflag:s5] =	ssyncset.done $0x0  }
0xcc: {  	[sflag:s5] =	ssyncadd.s32 $0xFFFFE000  }
0xcd: {  	_ =	swait.ge [sflag:s5], $0x2000  }
0xce: {  	[sflag:s5] =	ssyncset.done $0x0  }
0xcf: {  	[sflag:s5] =	ssyncadd.s32 $0xFFFFE000  }
0xd0: {  	_ =	swait.ge [sflag:s5], $0x2000  }
0xd1: {  	[sflag:s5] =	ssyncset.done $0x0  }
0xd2: {  	[sflag:s5] =	ssyncadd.s32 $0xFFFFE000  }
0xd3: {  	_ =	swait.ge [sflag:s5], $0x2000  }
0xd4: {  	[sflag:s5] =	ssyncset.done $0x0  }
0xd5: {  	[sflag:s5] =	ssyncadd.s32 $0xFFFFE000  }
0xd6: {  	_ =	swait.ge [sflag:s5], $0x2000  }
0xd7: {  	[sflag:s5] =	ssyncset.done $0x0  }
0xd8: {  	[sflag:s5] =	ssyncadd.s32 $0xFFFFE000  }
0xd9: {  	_ =	swait.ge [sflag:s5], $0x2000  }
0xda: {  	[sflag:s5] =	ssyncset.done $0x0  }
0xdb: {  	[sflag:s5] =	ssyncadd.s32 $0xFFFFE000  }
0xdc: {  	_ =	swait.ge [sflag:s5], $0x2000  }
0xdd: {  	[sflag:s5] =	ssyncset.done $0x0  }
0xde: {  	[sflag:s5] =	ssyncadd.s32 $0xFFFFE000  }
0xdf: {  	_ =	swait.ge [sflag:s5], $0x2000  }
0xe0: {  	[sflag:s5] =	ssyncset.done $0x0  }
0xe1: {  	[sflag:s5] =	ssyncadd.s32 $0xFFFFE000  }
0xe2: {  	_ =	swait.ge [sflag:s5], $0x2000  }
0xe3: {  	[sflag:s5] =	ssyncset.done $0x0  }
0xe4: {  	[sflag:s5] =	ssyncadd.s32 $0xFFFFE000  }
0xe5: {  	_ =	swait.ge [sflag:s5], $0x1000  }
0xe6: {  	[sflag:s5] =	ssyncset.done $0x0  }
0xe7: {  	s30 =	rddreg [dreg:$0x4];
	[sflag:s5] =	ssyncadd.s32 $0xFFFFF000  }
0xe8: {  	[hbm4b:s30+s2] =	stream.linear.scatter [tilespmem:s4], [sflag:$0x2], $0x19000, $0x38;
	[tilespmem:$0x19640] =	vst v63  }
0xe9: {  	_ =	swait.ge [sflag:s3], $0x19000  }
0xea: {  	[sflag:s3] =	ssyncset.done $0x0  }
0xeb: {  	[sflag:s3] =	ssyncadd.s32 $0xFFFE7000  }
0xec: {  	_ =	sfence.sel $0x180000  }
0xed: {  	[bflag:$0x0] =	sbarrier.arrive $0xFFFF  }
0xee: {  	_ =	strace $0x90000047  }
0xef: {  	s31 =	stileid.u32;
	[bflag:$0x2] =	sbarrier.arrive $0xFFFF  }
0xf0: {  	p0 =	sne.s32 s31, $0x0;
	s0 =	rddreg [dreg:$0x2]  }
0xf1: {  	s0 =	sadd.s32 @!p0 $0x100000, s0  }
0xf2: {  	[sflag:s0] =	ssyncadd.tile.s32 @!p0 $0x1;
	_ =	shalt  }
.Lfunc_end2:
_tile_overlayer_lowered:
.L_overlay_start_2:
0xf3: {  	(tag) =	ssettag $0x2  }
0xf4: {  	s0 =	rddreg [dreg:$0x0];
	s2 =	stileid.u32  }
0xf5: {  	s1 =	rddreg [dreg:$0x1];
	p0 =	sne.s32 s2, $0x0  }
0xf6: {  	s3 =	rddreg [dreg:$0x2];
	[bflag:$0x3] =	sbarrier.arrive $0xFFFF;
	s2 =	simm.s32 @!p0 $0x1C02  }
0xf7: {  	[timem:s3], [sflag:s2] =	dma.local @!p0 [hbm:s0], s1  }
0xf8: {  	s0 =	simm.s32 @!p0 $0x2  }
0xf9: {  	_ =	swait.ge @!p0 [sflag:s0], s1  }
0xfa: {  	s1 =	ssub.s32 @!p0 $0x0, s1;
	[sflag:s0] =	ssyncset.done @!p0 $0x0  }
0xfb: {  	[sflag:s0] =	ssyncadd.s32 @!p0 s1  }
0xfc: {  	[bflag:$0x3] =	sbarrier.arrive $0xFFFF  }
0xfd: {  	_ =	shalt  }

</sc_bundles>
